<compile_context>
chip_gen: v7x
topology: tpu7x:2x2x1
jax: 0.10.2.dev20260603
libtpu: 0.0.44.dev20260713+nightly
codegen_flags: <defaults>
</compile_context>

<pallas_src>
import functools

import jax
import jax.numpy as jnp
from jax import lax
from jax.experimental import pallas as pl
from jax.experimental.pallas import tpu as pltpu
from jax.experimental.pallas import tpu_sc as plsc

N_NODES = 10000
N_EDGES = 320000
HID = 128

NP = 10240
BE = 6400
NBE = N_EDGES // BE
BN = 2048
NW = 32
EP = N_EDGES // NW
CH = 2000
NCH = EP // CH
NACC = 5


def _edge_mlp_body(m_ref, w1_ref, b1_ref, w2_ref, b2_ref, o_ref):
    m16 = m_ref[...].astype(jnp.bfloat16)
    w116 = w1_ref[...].astype(jnp.bfloat16)
    tT = lax.dot_general(w116, m16, (((1,), (1,)), ((), ())),
                         preferred_element_type=jnp.float32)
    tT = tT + b1_ref[...]
    midT = tT * (0.5 * jnp.tanh(tT * 0.5) + 0.5)
    wrow = lax.dot_general(w2_ref[...], midT, (((1,), (0,)), ((), ())),
                           preferred_element_type=jnp.float32)
    o_ref[...] = jnp.expand_dims(wrow + b2_ref[...], 0)


def _edge_mlp(m_ij, W1, b1, W2, b2):
    return pl.pallas_call(
        _edge_mlp_body,
        grid=(NBE,),
        in_specs=[
            pl.BlockSpec((BE, HID), lambda i: (i, 0)),
            pl.BlockSpec((HID, HID), lambda i: (0, 0)),
            pl.BlockSpec((HID, 1), lambda i: (0, 0)),
            pl.BlockSpec((1, HID), lambda i: (0, 0)),
            pl.BlockSpec((1, 1), lambda i: (0, 0)),
        ],
        out_specs=pl.BlockSpec((1, 1, BE), lambda i: (i, 0, 0)),
        out_shape=jax.ShapeDtypeStruct((NBE, 1, BE), jnp.float32),
    )(m_ij, W1, b1.reshape(HID, 1), W2, b2.reshape(1, 1))


def _make_sc_scatter():
    mesh = plsc.VectorSubcoreMesh(core_axis_name="c", subcore_axis_name="s")

    @functools.partial(
        pl.kernel,
        mesh=mesh,
        compiler_params=pltpu.CompilerParams(needs_layout_passes=False),
        out_type=jax.ShapeDtypeStruct((NW, NACC, NP), jnp.float32),
        scratch_types=[
            pltpu.VMEM((NACC, NP), jnp.float32),
            pltpu.VMEM((3 * NP,), jnp.float32),
            pltpu.VMEM((CH,), jnp.int32),
            pltpu.VMEM((CH,), jnp.int32),
            pltpu.VMEM((CH,), jnp.float32),
            pltpu.VMEM((CH,), jnp.int32),
            pltpu.VMEM((CH,), jnp.int32),
            pltpu.VMEM((CH,), jnp.float32),
            pltpu.SemaphoreType.DMA,
        ],
    )
    def sc_scatter(src_hbm, dst_hbm, w_hbm, xt_hbm, out_hbm,
                   acc, xv, s0, d0, w0, s1, d1, w1, sem):
        wid = lax.axis_index("s") * 2 + lax.axis_index("c")
        base = wid * EP
        bufs = ((s0, d0, w0), (s1, d1, w1))

        def _stage(j, k):
            off = base + j * CH
            sb, db, wb = bufs[k]
            return (pltpu.async_copy(src_hbm.at[pl.ds(off, CH)], sb, sem),
                    pltpu.async_copy(dst_hbm.at[pl.ds(off, CH)], db, sem),
                    pltpu.async_copy(w_hbm.at[pl.ds(off, CH)], wb, sem))

        cx = pltpu.async_copy(xt_hbm, xv, sem)
        pend = _stage(0, 0)

        zrow = jnp.zeros((16,), jnp.float32)

        def _zero(i, _):
            for q in range(NACC):
                acc[q, pl.ds(pl.multiple_of(i * 16, 16), 16)] = zrow
            return _
        lax.fori_loop(0, NP // 16, _zero, None, unroll=4)
        cx.wait()

        ones = jnp.full((16,), 1.0, jnp.float32)
        q0 = jnp.zeros((16,), jnp.int32)
        q1 = jnp.full((16,), 1, jnp.int32)
        q2 = jnp.full((16,), 2, jnp.int32)
        q3 = jnp.full((16,), 3, jnp.int32)
        q4 = jnp.full((16,), 4, jnp.int32)

        for j in range(NCH):
            k = j % 2
            sb, db, wb = bufs[k]
            for c in pend:
                c.wait()
            if j + 1 < NCH:
                pend = _stage(j + 1, 1 - k)

            def _body(i, _):
                o = pl.ds(pl.multiple_of(i * 16, 16), 16)
                s = sb[o]
                d = db[o]
                ww = wb[o]
                xs0 = plsc.load_gather(xv, [s])
                xs1 = plsc.load_gather(xv, [s + NP])
                xs2 = plsc.load_gather(xv, [s + 2 * NP])
                plsc.addupdate_scatter(acc, [q0, d], xs0 * ww)
                plsc.addupdate_scatter(acc, [q1, d], xs1 * ww)
                plsc.addupdate_scatter(acc, [q2, d], xs2 * ww)
                plsc.addupdate_scatter(acc, [q3, d], ww)
                plsc.addupdate_scatter(acc, [q4, d], ones)
                return _
            lax.fori_loop(0, CH // 16, _body, None, unroll=2)

        pltpu.sync_copy(acc, out_hbm.at[wid])

    return sc_scatter


_sc_scatter = _make_sc_scatter()


def _node_mlp_body(h_ref, w3_ref, b3_ref, w4_ref, b4_ref, velt_ref, o_ref):
    gT = lax.dot_general(w3_ref[...], h_ref[...], (((1,), (1,)), ((), ())),
                         preferred_element_type=jnp.float32)
    gT = gT + b3_ref[...]
    gT = gT * jax.nn.sigmoid(gT)
    alphaT = lax.dot_general(w4_ref[...], gT, (((1,), (0,)), ((), ())),
                             preferred_element_type=jnp.float32)
    alphaT = alphaT + b4_ref[...]

    rows = []
    for c in range(3):
        vel = alphaT[0:1, :] * velt_ref[c:c + 1, :]
        for j in range(1, 5):
            vel = vel + alphaT[j:j + 1, :] * velt_ref[3 * j + c:3 * j + c + 1, :]
        rows.append(vel)
    o_ref[...] = jnp.concatenate(rows, axis=0)


def _node_mlp(h_p, W3, b3, W4, b4, velt_p):
    return pl.pallas_call(
        _node_mlp_body,
        grid=(NP // BN,),
        in_specs=[
            pl.BlockSpec((BN, HID), lambda i: (i, 0)),
            pl.BlockSpec((HID, HID), lambda i: (0, 0)),
            pl.BlockSpec((HID, 1), lambda i: (0, 0)),
            pl.BlockSpec((5, HID), lambda i: (0, 0)),
            pl.BlockSpec((5, 1), lambda i: (0, 0)),
            pl.BlockSpec((15, BN), lambda i: (0, i)),
        ],
        out_specs=pl.BlockSpec((3, BN), lambda i: (0, i)),
        out_shape=jax.ShapeDtypeStruct((3, NP), jnp.float32),
    )(h_p, W3, b3.reshape(HID, 1), W4, b4.reshape(5, 1), velt_p)


def _combine_body(velc_ref, xt_ref, part_ref, o_ref):
    p = part_ref[...]
    accP = p[0]
    for t in range(1, NW):
        accP = accP + p[t]

    wn = accP[3:4, :]
    cnt = accP[4:5, :]
    denom = jnp.maximum(cnt, 1.0)

    rows = []
    for c in range(3):
        geom = (accP[c:c + 1, :] - xt_ref[c:c + 1, :] * wn) / denom
        rows.append(velc_ref[c:c + 1, :] + geom)
    o_ref[...] = jnp.concatenate(rows, axis=0)


def _combine(velc, xt_p, partials):
    return pl.pallas_call(
        _combine_body,
        grid=(NP // BN,),
        in_specs=[
            pl.BlockSpec((3, BN), lambda i: (0, i)),
            pl.BlockSpec((3, BN), lambda i: (0, i)),
            pl.BlockSpec((NW, NACC, BN), lambda i: (0, 0, i)),
        ],
        out_specs=pl.BlockSpec((3, BN), lambda i: (0, i)),
        out_shape=jax.ShapeDtypeStruct((3, NP), jnp.float32),
    )(velc, xt_p, partials)


def kernel(h, m_ij, x, vel_all, edge_index, W1, b1, W2, b2, W3, b3, W4, b4):
    src = edge_index[0].astype(jnp.int32)
    dst = edge_index[1].astype(jnp.int32)

    w_e = _edge_mlp(m_ij, W1, b1, W2, b2).reshape(N_EDGES)

    xpad = jnp.pad(x, ((0, NP - N_NODES), (0, 0)))
    xt = xpad.T
    xt_flat = xt.reshape(3 * NP)
    partials = _sc_scatter(src, dst, w_e, xt_flat)

    h_p = jnp.pad(h, ((0, NP - N_NODES), (0, 0)))
    velt = vel_all.reshape(N_NODES, 15).T
    velt_p = jnp.pad(velt, ((0, 0), (0, NP - N_NODES)))
    velc = _node_mlp(h_p, W3, b3, W4, b4, velt_p)

    outT = _combine(velc, xt, partials)
    return outT[:, :N_NODES].T

# --- scband reference (transcript-rebuilt; emitter-appended) ---
"""Pipeline reference for scband-equivariant-decoder-63608465654304 (READ-ONLY COPY).

The authoritative reference and input builder live on the scoring server;
editing this copy changes nothing except your own understanding.
"""

import jax, jax.numpy as jnp
import numpy as np

N_NODES = 10000
N_EDGES = 320000
HID = 128


def setup_inputs(seed: int = 0) -> dict:
    key = jax.random.key(seed)
    ks = jax.random.split(key, 16)
    h = jax.random.normal(ks[0], (N_NODES, HID), dtype=jnp.float32)
    m_ij = jax.random.normal(ks[1], (N_EDGES, HID), dtype=jnp.float32)
    x = jax.random.normal(ks[2], (N_NODES, 3), dtype=jnp.float32)
    vel_all = jax.random.normal(ks[3], (N_NODES, 5, 3), dtype=jnp.float32)
    edge_index = jax.random.randint(ks[4], (2, N_EDGES), 0, N_NODES, dtype=jnp.int64)
    s = 1.0 / np.sqrt(HID)
    W1 = jax.random.uniform(ks[5], (HID, HID), minval=-s, maxval=s, dtype=jnp.float32)
    b1 = jax.random.uniform(ks[6], (HID,), minval=-s, maxval=s, dtype=jnp.float32)
    W2 = jax.random.uniform(ks[7], (1, HID), minval=-s, maxval=s, dtype=jnp.float32)
    b2 = jax.random.uniform(ks[8], (1,), minval=-s, maxval=s, dtype=jnp.float32)
    W3 = jax.random.uniform(ks[9], (HID, HID), minval=-s, maxval=s, dtype=jnp.float32)
    b3 = jax.random.uniform(ks[10], (HID,), minval=-s, maxval=s, dtype=jnp.float32)
    W4 = jax.random.uniform(ks[11], (5, HID), minval=-s, maxval=s, dtype=jnp.float32)
    b4 = jax.random.uniform(ks[12], (5,), minval=-s, maxval=s, dtype=jnp.float32)
    return {"h": h, "m_ij": m_ij, "x": x, "vel_all": vel_all, "edge_index": edge_index,
            "W1": W1, "b1": b1, "W2": W2, "b2": b2, "W3": W3, "b3": b3, "W4": W4, "b4": b4}


def reference(h, m_ij, x, vel_all, edge_index, W1, b1, W2, b2, W3, b3, W4, b4):
    src = edge_index[0]
    dst = edge_index[1]
    rel = x[src] - x[dst]  # [E, 3]
    # edge_weight MLP: Linear -> SiLU -> Linear -> [E, 1]
    e_mid = jax.nn.silu(m_ij @ W1.T + b1)
    w = e_mid @ W2.T + b2  # [E, 1]
    vals = rel * w  # [E, 3]
    n = h.shape[0]
    sums = jax.ops.segment_sum(vals, dst, num_segments=n)
    cnt = jax.ops.segment_sum(jnp.ones((dst.shape[0], 1), dtype=vals.dtype), dst, num_segments=n)
    geom_delta = sums / jnp.clip(cnt, 1.0)  # scatter_mean semantics
    # vel_gates MLP: Linear -> SiLU -> Linear -> [N, 5]
    g_mid = jax.nn.silu(h @ W3.T + b3)
    alpha = (g_mid @ W4.T + b4)[..., None]  # [N, 5, 1]
    vel_combo = (alpha * vel_all).sum(axis=1)  # [N, 3]
    return vel_combo + geom_delta

if __name__ == "__main__":
    import jax
    _d = setup_inputs()
    print(jax.jit(kernel)(*tuple(_d.values())))

</pallas_src>

<mosaic_0001>
#map = affine_map<(d0, d1) -> (0)>
#map1 = affine_map<(d0, d1) -> (0, 0, 0)>
module attributes {stable_mosaic.version = 14 : i64} {
  func.func @sc_scatter(%arg0: i32, %arg1: i32, %arg2: memref<320000xi32, #tpu.memory_space<hbm>>, %arg3: memref<320000xi32, #tpu.memory_space<hbm>>, %arg4: memref<320000xf32, #tpu.memory_space<hbm>>, %arg5: memref<30720xf32, #tpu.memory_space<hbm>>, %arg6: memref<32x5x10240xf32, #tpu.memory_space<hbm>>, %arg7: memref<5x10240xf32, #tpu.memory_space<vmem>>, %arg8: memref<30720xf32, #tpu.memory_space<vmem>>, %arg9: memref<2000xi32, #tpu.memory_space<vmem>>, %arg10: memref<2000xi32, #tpu.memory_space<vmem>>, %arg11: memref<2000xf32, #tpu.memory_space<vmem>>, %arg12: memref<2000xi32, #tpu.memory_space<vmem>>, %arg13: memref<2000xi32, #tpu.memory_space<vmem>>, %arg14: memref<2000xf32, #tpu.memory_space<vmem>>, %arg15: memref<!tpu.dma_semaphore, #tpu.memory_space<semaphore_mem>>) attributes {dimension_semantics = [#tpu.dimension_semantics<core_parallel>, #tpu.dimension_semantics<subcore_parallel>], iteration_bounds = array<i64: 2, 16>, scalar_prefetch = 0 : i64, scratch_operands = 9 : i64, tpu.core_type = #tpu.core_type<sc_vector_subcore>, window_params = [{transform_indices = #map}, {transform_indices = #map}, {transform_indices = #map}, {transform_indices = #map}, {transform_indices = #map1}]} {
    %mul3A = arith.constant 2 : i32
    %mul3A_0 = arith.muli %arg1, %mul3A : i32
    %add3A = arith.addi %mul3A_0, %arg0 : i32
    %mul3A_1 = arith.constant 10000 : i32
    %mul3A_2 = arith.muli %add3A, %mul3A_1 : i32
    tpu.enqueue_dma source(%arg5 : memref<30720xf32, #tpu.memory_space<hbm>>) target(%arg8 : memref<30720xf32, #tpu.memory_space<vmem>>) target_semaphore(%arg15 : memref<!tpu.dma_semaphore, #tpu.memory_space<semaphore_mem>>)
    %add3A_3 = arith.constant 0 : i32
    %add3A_4 = arith.addi %mul3A_2, %add3A_3 : i32
    %dma_start3A = tpu.memref_slice %arg2[%add3A_4] : memref<320000xi32, #tpu.memory_space<hbm>> -> memref<2000xi32, #tpu.memory_space<hbm>>
    %dma_start3A_5 = tpu.memref_slice %arg2[%add3A_4] : memref<320000xi32, #tpu.memory_space<hbm>> -> memref<2000xi32, #tpu.memory_space<hbm>>
    tpu.enqueue_dma source(%dma_start3A_5 : memref<2000xi32, #tpu.memory_space<hbm>>) target(%arg9 : memref<2000xi32, #tpu.memory_space<vmem>>) target_semaphore(%arg15 : memref<!tpu.dma_semaphore, #tpu.memory_space<semaphore_mem>>)
    %dma_start3A_6 = tpu.memref_slice %arg3[%add3A_4] : memref<320000xi32, #tpu.memory_space<hbm>> -> memref<2000xi32, #tpu.memory_space<hbm>>
    %dma_start3A_7 = tpu.memref_slice %arg3[%add3A_4] : memref<320000xi32, #tpu.memory_space<hbm>> -> memref<2000xi32, #tpu.memory_space<hbm>>
    tpu.enqueue_dma source(%dma_start3A_7 : memref<2000xi32, #tpu.memory_space<hbm>>) target(%arg10 : memref<2000xi32, #tpu.memory_space<vmem>>) target_semaphore(%arg15 : memref<!tpu.dma_semaphore, #tpu.memory_space<semaphore_mem>>)
    %dma_start3A_8 = tpu.memref_slice %arg4[%add3A_4] : memref<320000xf32, #tpu.memory_space<hbm>> -> memref<2000xf32, #tpu.memory_space<hbm>>
    %dma_start3A_9 = tpu.memref_slice %arg4[%add3A_4] : memref<320000xf32, #tpu.memory_space<hbm>> -> memref<2000xf32, #tpu.memory_space<hbm>>
    tpu.enqueue_dma source(%dma_start3A_9 : memref<2000xf32, #tpu.memory_space<hbm>>) target(%arg11 : memref<2000xf32, #tpu.memory_space<vmem>>) target_semaphore(%arg15 : memref<!tpu.dma_semaphore, #tpu.memory_space<semaphore_mem>>)
    %broadcast_in_dim3A = arith.constant 0.000000e+00 : f32
    %broadcast_in_dim3A_10 = vector.broadcast %broadcast_in_dim3A : f32 to vector<16xf32>
    %scan3A = arith.constant 0 : i32
    %scan3A_11 = arith.constant 640 : i32
    %scan3A_12 = arith.addi %scan3A, %scan3A_11 : i32
    %scan3A_13 = arith.constant 4 : i32
    scf.for %scan3A_225 = %scan3A to %scan3A_12 step %scan3A_13  : i32 {
      %mul3A_226 = arith.constant 16 : i32
      %mul3A_227 = arith.muli %scan3A_225, %mul3A_226 : i32
      %multiple_of3A_228 = tpu.assume_multiple %mul3A_227, 16 : i32
      %swap3A = arith.constant 0 : i32
      %swap3A_229 = arith.index_cast %swap3A : i32 to index
      %swap3A_230 = arith.index_cast %multiple_of3A_228 : i32 to index
      %swap3A_231 = tpu.vector_load %arg7[%swap3A_229, %swap3A_230] {strides = array<i32>} : memref<5x10240xf32, #tpu.memory_space<vmem>>, vector<16xf32>,
      tpu.vector_store %arg7[%swap3A_229, %swap3A_230], %broadcast_in_dim3A_10 {strides = array<i32>} : memref<5x10240xf32, #tpu.memory_space<vmem>>, vector<16xf32>,
      %mul3A_232 = arith.constant 16 : i32
      %mul3A_233 = arith.muli %scan3A_225, %mul3A_232 : i32
      %multiple_of3A_234 = tpu.assume_multiple %mul3A_233, 16 : i32
      %swap3A_235 = arith.constant 1 : i32
      %swap3A_236 = arith.index_cast %swap3A_235 : i32 to index
      %swap3A_237 = arith.index_cast %multiple_of3A_234 : i32 to index
      %swap3A_238 = tpu.vector_load %arg7[%swap3A_236, %swap3A_237] {strides = array<i32>} : memref<5x10240xf32, #tpu.memory_space<vmem>>, vector<16xf32>,
      tpu.vector_store %arg7[%swap3A_236, %swap3A_237], %broadcast_in_dim3A_10 {strides = array<i32>} : memref<5x10240xf32, #tpu.memory_space<vmem>>, vector<16xf32>,
      %mul3A_239 = arith.constant 16 : i32
      %mul3A_240 = arith.muli %scan3A_225, %mul3A_239 : i32
      %multiple_of3A_241 = tpu.assume_multiple %mul3A_240, 16 : i32
      %swap3A_242 = arith.constant 2 : i32
      %swap3A_243 = arith.index_cast %swap3A_242 : i32 to index
      %swap3A_244 = arith.index_cast %multiple_of3A_241 : i32 to index
      %swap3A_245 = tpu.vector_load %arg7[%swap3A_243, %swap3A_244] {strides = array<i32>} : memref<5x10240xf32, #tpu.memory_space<vmem>>, vector<16xf32>,
      tpu.vector_store %arg7[%swap3A_243, %swap3A_244], %broadcast_in_dim3A_10 {strides = array<i32>} : memref<5x10240xf32, #tpu.memory_space<vmem>>, vector<16xf32>,
      %mul3A_246 = arith.constant 16 : i32
      %mul3A_247 = arith.muli %scan3A_225, %mul3A_246 : i32
      %multiple_of3A_248 = tpu.assume_multiple %mul3A_247, 16 : i32
      %swap3A_249 = arith.constant 3 : i32
      %swap3A_250 = arith.index_cast %swap3A_249 : i32 to index
      %swap3A_251 = arith.index_cast %multiple_of3A_248 : i32 to index
      %swap3A_252 = tpu.vector_load %arg7[%swap3A_250, %swap3A_251] {strides = array<i32>} : memref<5x10240xf32, #tpu.memory_space<vmem>>, vector<16xf32>,
      tpu.vector_store %arg7[%swap3A_250, %swap3A_251], %broadcast_in_dim3A_10 {strides = array<i32>} : memref<5x10240xf32, #tpu.memory_space<vmem>>, vector<16xf32>,
      %mul3A_253 = arith.constant 16 : i32
      %mul3A_254 = arith.muli %scan3A_225, %mul3A_253 : i32
      %multiple_of3A_255 = tpu.assume_multiple %mul3A_254, 16 : i32
      %swap3A_256 = arith.constant 4 : i32
      %swap3A_257 = arith.index_cast %swap3A_256 : i32 to index
      %swap3A_258 = arith.index_cast %multiple_of3A_255 : i32 to index
      %swap3A_259 = tpu.vector_load %arg7[%swap3A_257, %swap3A_258] {strides = array<i32>} : memref<5x10240xf32, #tpu.memory_space<vmem>>, vector<16xf32>,
      tpu.vector_store %arg7[%swap3A_257, %swap3A_258], %broadcast_in_dim3A_10 {strides = array<i32>} : memref<5x10240xf32, #tpu.memory_space<vmem>>, vector<16xf32>,
      %scan3A_260 = arith.constant 1 : i32
      %scan3A_261 = arith.addi %scan3A_225, %scan3A_260 : i32
      %mul3A_262 = arith.constant 16 : i32
      %mul3A_263 = arith.muli %scan3A_261, %mul3A_262 : i32
      %multiple_of3A_264 = tpu.assume_multiple %mul3A_263, 16 : i32
      %swap3A_265 = arith.constant 0 : i32
      %swap3A_266 = arith.index_cast %swap3A_265 : i32 to index
      %swap3A_267 = arith.index_cast %multiple_of3A_264 : i32 to index
      %swap3A_268 = tpu.vector_load %arg7[%swap3A_266, %swap3A_267] {strides = array<i32>} : memref<5x10240xf32, #tpu.memory_space<vmem>>, vector<16xf32>,
      tpu.vector_store %arg7[%swap3A_266, %swap3A_267], %broadcast_in_dim3A_10 {strides = array<i32>} : memref<5x10240xf32, #tpu.memory_space<vmem>>, vector<16xf32>,
      %mul3A_269 = arith.constant 16 : i32
      %mul3A_270 = arith.muli %scan3A_261, %mul3A_269 : i32
      %multiple_of3A_271 = tpu.assume_multiple %mul3A_270, 16 : i32
      %swap3A_272 = arith.constant 1 : i32
      %swap3A_273 = arith.index_cast %swap3A_272 : i32 to index
      %swap3A_274 = arith.index_cast %multiple_of3A_271 : i32 to index
      %swap3A_275 = tpu.vector_load %arg7[%swap3A_273, %swap3A_274] {strides = array<i32>} : memref<5x10240xf32, #tpu.memory_space<vmem>>, vector<16xf32>,
      tpu.vector_store %arg7[%swap3A_273, %swap3A_274], %broadcast_in_dim3A_10 {strides = array<i32>} : memref<5x10240xf32, #tpu.memory_space<vmem>>, vector<16xf32>,
      %mul3A_276 = arith.constant 16 : i32
      %mul3A_277 = arith.muli %scan3A_261, %mul3A_276 : i32
      %multiple_of3A_278 = tpu.assume_multiple %mul3A_277, 16 : i32
      %swap3A_279 = arith.constant 2 : i32
      %swap3A_280 = arith.index_cast %swap3A_279 : i32 to index
      %swap3A_281 = arith.index_cast %multiple_of3A_278 : i32 to index
      %swap3A_282 = tpu.vector_load %arg7[%swap3A_280, %swap3A_281] {strides = array<i32>} : memref<5x10240xf32, #tpu.memory_space<vmem>>, vector<16xf32>,
      tpu.vector_store %arg7[%swap3A_280, %swap3A_281], %broadcast_in_dim3A_10 {strides = array<i32>} : memref<5x10240xf32, #tpu.memory_space<vmem>>, vector<16xf32>,
      %mul3A_283 = arith.constant 16 : i32
      %mul3A_284 = arith.muli %scan3A_261, %mul3A_283 : i32
      %multiple_of3A_285 = tpu.assume_multiple %mul3A_284, 16 : i32
      %swap3A_286 = arith.constant 3 : i32
      %swap3A_287 = arith.index_cast %swap3A_286 : i32 to index
      %swap3A_288 = arith.index_cast %multiple_of3A_285 : i32 to index
      %swap3A_289 = tpu.vector_load %arg7[%swap3A_287, %swap3A_288] {strides = array<i32>} : memref<5x10240xf32, #tpu.memory_space<vmem>>, vector<16xf32>,
      tpu.vector_store %arg7[%swap3A_287, %swap3A_288], %broadcast_in_dim3A_10 {strides = array<i32>} : memref<5x10240xf32, #tpu.memory_space<vmem>>, vector<16xf32>,
      %mul3A_290 = arith.constant 16 : i32
      %mul3A_291 = arith.muli %scan3A_261, %mul3A_290 : i32
      %multiple_of3A_292 = tpu.assume_multiple %mul3A_291, 16 : i32
      %swap3A_293 = arith.constant 4 : i32
      %swap3A_294 = arith.index_cast %swap3A_293 : i32 to index
      %swap3A_295 = arith.index_cast %multiple_of3A_292 : i32 to index
      %swap3A_296 = tpu.vector_load %arg7[%swap3A_294, %swap3A_295] {strides = array<i32>} : memref<5x10240xf32, #tpu.memory_space<vmem>>, vector<16xf32>,
      tpu.vector_store %arg7[%swap3A_294, %swap3A_295], %broadcast_in_dim3A_10 {strides = array<i32>} : memref<5x10240xf32, #tpu.memory_space<vmem>>, vector<16xf32>,
      %scan3A_297 = arith.constant 2 : i32
      %scan3A_298 = arith.addi %scan3A_225, %scan3A_297 : i32
      %mul3A_299 = arith.constant 16 : i32
      %mul3A_300 = arith.muli %scan3A_298, %mul3A_299 : i32
      %multiple_of3A_301 = tpu.assume_multiple %mul3A_300, 16 : i32
      %swap3A_302 = arith.constant 0 : i32
      %swap3A_303 = arith.index_cast %swap3A_302 : i32 to index
      %swap3A_304 = arith.index_cast %multiple_of3A_301 : i32 to index
      %swap3A_305 = tpu.vector_load %arg7[%swap3A_303, %swap3A_304] {strides = array<i32>} : memref<5x10240xf32, #tpu.memory_space<vmem>>, vector<16xf32>,
      tpu.vector_store %arg7[%swap3A_303, %swap3A_304], %broadcast_in_dim3A_10 {strides = array<i32>} : memref<5x10240xf32, #tpu.memory_space<vmem>>, vector<16xf32>,
      %mul3A_306 = arith.constant 16 : i32
      %mul3A_307 = arith.muli %scan3A_298, %mul3A_306 : i32
      %multiple_of3A_308 = tpu.assume_multiple %mul3A_307, 16 : i32
      %swap3A_309 = arith.constant 1 : i32
      %swap3A_310 = arith.index_cast %swap3A_309 : i32 to index
      %swap3A_311 = arith.index_cast %multiple_of3A_308 : i32 to index
      %swap3A_312 = tpu.vector_load %arg7[%swap3A_310, %swap3A_311] {strides = array<i32>} : memref<5x10240xf32, #tpu.memory_space<vmem>>, vector<16xf32>,
      tpu.vector_store %arg7[%swap3A_310, %swap3A_311], %broadcast_in_dim3A_10 {strides = array<i32>} : memref<5x10240xf32, #tpu.memory_space<vmem>>, vector<16xf32>,
      %mul3A_313 = arith.constant 16 : i32
      %mul3A_314 = arith.muli %scan3A_298, %mul3A_313 : i32
      %multiple_of3A_315 = tpu.assume_multiple %mul3A_314, 16 : i32
      %swap3A_316 = arith.constant 2 : i32
      %swap3A_317 = arith.index_cast %swap3A_316 : i32 to index
      %swap3A_318 = arith.index_cast %multiple_of3A_315 : i32 to index
      %swap3A_319 = tpu.vector_load %arg7[%swap3A_317, %swap3A_318] {strides = array<i32>} : memref<5x10240xf32, #tpu.memory_space<vmem>>, vector<16xf32>,
      tpu.vector_store %arg7[%swap3A_317, %swap3A_318], %broadcast_in_dim3A_10 {strides = array<i32>} : memref<5x10240xf32, #tpu.memory_space<vmem>>, vector<16xf32>,
      %mul3A_320 = arith.constant 16 : i32
      %mul3A_321 = arith.muli %scan3A_298, %mul3A_320 : i32
      %multiple_of3A_322 = tpu.assume_multiple %mul3A_321, 16 : i32
      %swap3A_323 = arith.constant 3 : i32
      %swap3A_324 = arith.index_cast %swap3A_323 : i32 to index
      %swap3A_325 = arith.index_cast %multiple_of3A_322 : i32 to index
      %swap3A_326 = tpu.vector_load %arg7[%swap3A_324, %swap3A_325] {strides = array<i32>} : memref<5x10240xf32, #tpu.memory_space<vmem>>, vector<16xf32>,
      tpu.vector_store %arg7[%swap3A_324, %swap3A_325], %broadcast_in_dim3A_10 {strides = array<i32>} : memref<5x10240xf32, #tpu.memory_space<vmem>>, vector<16xf32>,
      %mul3A_327 = arith.constant 16 : i32
      %mul3A_328 = arith.muli %scan3A_298, %mul3A_327 : i32
      %multiple_of3A_329 = tpu.assume_multiple %mul3A_328, 16 : i32
      %swap3A_330 = arith.constant 4 : i32
      %swap3A_331 = arith.index_cast %swap3A_330 : i32 to index
      %swap3A_332 = arith.index_cast %multiple_of3A_329 : i32 to index
      %swap3A_333 = tpu.vector_load %arg7[%swap3A_331, %swap3A_332] {strides = array<i32>} : memref<5x10240xf32, #tpu.memory_space<vmem>>, vector<16xf32>,
      tpu.vector_store %arg7[%swap3A_331, %swap3A_332], %broadcast_in_dim3A_10 {strides = array<i32>} : memref<5x10240xf32, #tpu.memory_space<vmem>>, vector<16xf32>,
      %scan3A_334 = arith.constant 3 : i32
      %scan3A_335 = arith.addi %scan3A_225, %scan3A_334 : i32
      %mul3A_336 = arith.constant 16 : i32
      %mul3A_337 = arith.muli %scan3A_335, %mul3A_336 : i32
      %multiple_of3A_338 = tpu.assume_multiple %mul3A_337, 16 : i32
      %swap3A_339 = arith.constant 0 : i32
      %swap3A_340 = arith.index_cast %swap3A_339 : i32 to index
      %swap3A_341 = arith.index_cast %multiple_of3A_338 : i32 to index
      %swap3A_342 = tpu.vector_load %arg7[%swap3A_340, %swap3A_341] {strides = array<i32>} : memref<5x10240xf32, #tpu.memory_space<vmem>>, vector<16xf32>,
      tpu.vector_store %arg7[%swap3A_340, %swap3A_341], %broadcast_in_dim3A_10 {strides = array<i32>} : memref<5x10240xf32, #tpu.memory_space<vmem>>, vector<16xf32>,
      %mul3A_343 = arith.constant 16 : i32
      %mul3A_344 = arith.muli %scan3A_335, %mul3A_343 : i32
      %multiple_of3A_345 = tpu.assume_multiple %mul3A_344, 16 : i32
      %swap3A_346 = arith.constant 1 : i32
      %swap3A_347 = arith.index_cast %swap3A_346 : i32 to index
      %swap3A_348 = arith.index_cast %multiple_of3A_345 : i32 to index
      %swap3A_349 = tpu.vector_load %arg7[%swap3A_347, %swap3A_348] {strides = array<i32>} : memref<5x10240xf32, #tpu.memory_space<vmem>>, vector<16xf32>,
      tpu.vector_store %arg7[%swap3A_347, %swap3A_348], %broadcast_in_dim3A_10 {strides = array<i32>} : memref<5x10240xf32, #tpu.memory_space<vmem>>, vector<16xf32>,
      %mul3A_350 = arith.constant 16 : i32
      %mul3A_351 = arith.muli %scan3A_335, %mul3A_350 : i32
      %multiple_of3A_352 = tpu.assume_multiple %mul3A_351, 16 : i32
      %swap3A_353 = arith.constant 2 : i32
      %swap3A_354 = arith.index_cast %swap3A_353 : i32 to index
      %swap3A_355 = arith.index_cast %multiple_of3A_352 : i32 to index
      %swap3A_356 = tpu.vector_load %arg7[%swap3A_354, %swap3A_355] {strides = array<i32>} : memref<5x10240xf32, #tpu.memory_space<vmem>>, vector<16xf32>,
      tpu.vector_store %arg7[%swap3A_354, %swap3A_355], %broadcast_in_dim3A_10 {strides = array<i32>} : memref<5x10240xf32, #tpu.memory_space<vmem>>, vector<16xf32>,
      %mul3A_357 = arith.constant 16 : i32
      %mul3A_358 = arith.muli %scan3A_335, %mul3A_357 : i32
      %multiple_of3A_359 = tpu.assume_multiple %mul3A_358, 16 : i32
      %swap3A_360 = arith.constant 3 : i32
      %swap3A_361 = arith.index_cast %swap3A_360 : i32 to index
      %swap3A_362 = arith.index_cast %multiple_of3A_359 : i32 to index
      %swap3A_363 = tpu.vector_load %arg7[%swap3A_361, %swap3A_362] {strides = array<i32>} : memref<5x10240xf32, #tpu.memory_space<vmem>>, vector<16xf32>,
      tpu.vector_store %arg7[%swap3A_361, %swap3A_362], %broadcast_in_dim3A_10 {strides = array<i32>} : memref<5x10240xf32, #tpu.memory_space<vmem>>, vector<16xf32>,
      %mul3A_364 = arith.constant 16 : i32
      %mul3A_365 = arith.muli %scan3A_335, %mul3A_364 : i32
      %multiple_of3A_366 = tpu.assume_multiple %mul3A_365, 16 : i32
      %swap3A_367 = arith.constant 4 : i32
      %swap3A_368 = arith.index_cast %swap3A_367 : i32 to index
      %swap3A_369 = arith.index_cast %multiple_of3A_366 : i32 to index
      %swap3A_370 = tpu.vector_load %arg7[%swap3A_368, %swap3A_369] {strides = array<i32>} : memref<5x10240xf32, #tpu.memory_space<vmem>>, vector<16xf32>,
      tpu.vector_store %arg7[%swap3A_368, %swap3A_369], %broadcast_in_dim3A_10 {strides = array<i32>} : memref<5x10240xf32, #tpu.memory_space<vmem>>, vector<16xf32>,
    }
    %scan3A_14 = arith.constant 640 : i32
    tpu.wait_dma2 semaphore(%arg15 : memref<!tpu.dma_semaphore, #tpu.memory_space<semaphore_mem>>) src(%arg5 : memref<30720xf32, #tpu.memory_space<hbm>>) dst(%arg8 : memref<30720xf32, #tpu.memory_space<vmem>>)
    %broadcast_in_dim3A_15 = arith.constant 1.000000e+00 : f32
    %broadcast_in_dim3A_16 = vector.broadcast %broadcast_in_dim3A_15 : f32 to vector<16xf32>
    %broadcast_in_dim3A_17 = arith.constant 0 : i32
    %broadcast_in_dim3A_18 = vector.broadcast %broadcast_in_dim3A_17 : i32 to vector<16xi32>
    %broadcast_in_dim3A_19 = arith.constant 1 : i32
    %broadcast_in_dim3A_20 = vector.broadcast %broadcast_in_dim3A_19 : i32 to vector<16xi32>
    %broadcast_in_dim3A_21 = arith.constant 2 : i32
    %broadcast_in_dim3A_22 = vector.broadcast %broadcast_in_dim3A_21 : i32 to vector<16xi32>
    %broadcast_in_dim3A_23 = arith.constant 3 : i32
    %broadcast_in_dim3A_24 = vector.broadcast %broadcast_in_dim3A_23 : i32 to vector<16xi32>
    %broadcast_in_dim3A_25 = arith.constant 4 : i32
    %broadcast_in_dim3A_26 = vector.broadcast %broadcast_in_dim3A_25 : i32 to vector<16xi32>
    %dma_wait3A = tpu.memref_slice %arg2[%add3A_4] : memref<320000xi32, #tpu.memory_space<hbm>> -> memref<2000xi32, #tpu.memory_space<hbm>>
    %dma_wait3A_27 = tpu.memref_slice %arg2[%add3A_4] : memref<320000xi32, #tpu.memory_space<hbm>> -> memref<2000xi32, #tpu.memory_space<hbm>>
    tpu.wait_dma2 semaphore(%arg15 : memref<!tpu.dma_semaphore, #tpu.memory_space<semaphore_mem>>) src(%dma_wait3A_27 : memref<2000xi32, #tpu.memory_space<hbm>>) dst(%arg9 : memref<2000xi32, #tpu.memory_space<vmem>>)
    %dma_wait3A_28 = tpu.memref_slice %arg3[%add3A_4] : memref<320000xi32, #tpu.memory_space<hbm>> -> memref<2000xi32, #tpu.memory_space<hbm>>
    %dma_wait3A_29 = tpu.memref_slice %arg3[%add3A_4] : memref<320000xi32, #tpu.memory_space<hbm>> -> memref<2000xi32, #tpu.memory_space<hbm>>
    tpu.wait_dma2 semaphore(%arg15 : memref<!tpu.dma_semaphore, #tpu.memory_space<semaphore_mem>>) src(%dma_wait3A_29 : memref<2000xi32, #tpu.memory_space<hbm>>) dst(%arg10 : memref<2000xi32, #tpu.memory_space<vmem>>)
    %dma_wait3A_30 = tpu.memref_slice %arg4[%add3A_4] : memref<320000xf32, #tpu.memory_space<hbm>> -> memref<2000xf32, #tpu.memory_space<hbm>>
    %dma_wait3A_31 = tpu.memref_slice %arg4[%add3A_4] : memref<320000xf32, #tpu.memory_space<hbm>> -> memref<2000xf32, #tpu.memory_space<hbm>>
    tpu.wait_dma2 semaphore(%arg15 : memref<!tpu.dma_semaphore, #tpu.memory_space<semaphore_mem>>) src(%dma_wait3A_31 : memref<2000xf32, #tpu.memory_space<hbm>>) dst(%arg11 : memref<2000xf32, #tpu.memory_space<vmem>>)
    %add3A_32 = arith.constant 2000 : i32
    %add3A_33 = arith.addi %mul3A_2, %add3A_32 : i32
    %dma_start3A_34 = tpu.memref_slice %arg2[%add3A_33] : memref<320000xi32, #tpu.memory_space<hbm>> -> memref<2000xi32, #tpu.memory_space<hbm>>
    %dma_start3A_35 = tpu.memref_slice %arg2[%add3A_33] : memref<320000xi32, #tpu.memory_space<hbm>> -> memref<2000xi32, #tpu.memory_space<hbm>>
    tpu.enqueue_dma source(%dma_start3A_35 : memref<2000xi32, #tpu.memory_space<hbm>>) target(%arg12 : memref<2000xi32, #tpu.memory_space<vmem>>) target_semaphore(%arg15 : memref<!tpu.dma_semaphore, #tpu.memory_space<semaphore_mem>>)
    %dma_start3A_36 = tpu.memref_slice %arg3[%add3A_33] : memref<320000xi32, #tpu.memory_space<hbm>> -> memref<2000xi32, #tpu.memory_space<hbm>>
    %dma_start3A_37 = tpu.memref_slice %arg3[%add3A_33] : memref<320000xi32, #tpu.memory_space<hbm>> -> memref<2000xi32, #tpu.memory_space<hbm>>
    tpu.enqueue_dma source(%dma_start3A_37 : memref<2000xi32, #tpu.memory_space<hbm>>) target(%arg13 : memref<2000xi32, #tpu.memory_space<vmem>>) target_semaphore(%arg15 : memref<!tpu.dma_semaphore, #tpu.memory_space<semaphore_mem>>)
    %dma_start3A_38 = tpu.memref_slice %arg4[%add3A_33] : memref<320000xf32, #tpu.memory_space<hbm>> -> memref<2000xf32, #tpu.memory_space<hbm>>
    %dma_start3A_39 = tpu.memref_slice %arg4[%add3A_33] : memref<320000xf32, #tpu.memory_space<hbm>> -> memref<2000xf32, #tpu.memory_space<hbm>>
    tpu.enqueue_dma source(%dma_start3A_39 : memref<2000xf32, #tpu.memory_space<hbm>>) target(%arg14 : memref<2000xf32, #tpu.memory_space<vmem>>) target_semaphore(%arg15 : memref<!tpu.dma_semaphore, #tpu.memory_space<semaphore_mem>>)
    %scan3A_40 = arith.constant 0 : i32
    %scan3A_41 = arith.constant 124 : i32
    %scan3A_42 = arith.addi %scan3A_40, %scan3A_41 : i32
    %scan3A_43 = arith.constant 2 : i32
    scf.for %scan3A_225 = %scan3A_40 to %scan3A_42 step %scan3A_43  : i32 {
      %mul3A_226 = arith.constant 16 : i32
      %mul3A_227 = arith.muli %scan3A_225, %mul3A_226 : i32
      %multiple_of3A_228 = tpu.assume_multiple %mul3A_227, 16 : i32
      %get3A_229 = arith.index_cast %multiple_of3A_228 : i32 to index
      %get3A_230 = tpu.vector_load %arg9[%get3A_229] {strides = array<i32>} : memref<2000xi32, #tpu.memory_space<vmem>>, vector<16xi32>,
      %get3A_231 = arith.index_cast %multiple_of3A_228 : i32 to index
      %get3A_232 = tpu.vector_load %arg10[%get3A_231] {strides = array<i32>} : memref<2000xi32, #tpu.memory_space<vmem>>, vector<16xi32>,
      %get3A_233 = arith.index_cast %multiple_of3A_228 : i32 to index
      %get3A_234 = tpu.vector_load %arg11[%get3A_233] {strides = array<i32>} : memref<2000xf32, #tpu.memory_space<vmem>>, vector<16xf32>,
      %gather3A_235 = tpu.vector_load_idx %arg8[%get3A_230] : memref<30720xf32, #tpu.memory_space<vmem>>[vector<16xi32>], vector<16xf32>,
      %add3A_236 = arith.constant 10240 : i32
      %add3A_237 = vector.broadcast %add3A_236 : i32 to vector<16xi32>
      %add3A_238 = arith.addi %get3A_230, %add3A_237 : vector<16xi32>
      %gather3A_239 = tpu.vector_load_idx %arg8[%add3A_238] : memref<30720xf32, #tpu.memory_space<vmem>>[vector<16xi32>], vector<16xf32>,
      %add3A_240 = arith.constant 20480 : i32
      %add3A_241 = vector.broadcast %add3A_240 : i32 to vector<16xi32>
      %add3A_242 = arith.addi %get3A_230, %add3A_241 : vector<16xi32>
      %gather3A_243 = tpu.vector_load_idx %arg8[%add3A_242] : memref<30720xf32, #tpu.memory_space<vmem>>[vector<16xi32>], vector<16xf32>,
      %mul3A_244 = arith.mulf %gather3A_235, %get3A_234 : vector<16xf32>
      tpu.vector_store_idx %arg7[%broadcast_in_dim3A_18, %get3A_232], %mul3A_244 {add = true} : memref<5x10240xf32, #tpu.memory_space<vmem>>[vector<16xi32>, vector<16xi32>], vector<16xf32>,
      %mul3A_245 = arith.mulf %gather3A_239, %get3A_234 : vector<16xf32>
      tpu.vector_store_idx %arg7[%broadcast_in_dim3A_20, %get3A_232], %mul3A_245 {add = true} : memref<5x10240xf32, #tpu.memory_space<vmem>>[vector<16xi32>, vector<16xi32>], vector<16xf32>,
      %mul3A_246 = arith.mulf %gather3A_243, %get3A_234 : vector<16xf32>
      tpu.vector_store_idx %arg7[%broadcast_in_dim3A_22, %get3A_232], %mul3A_246 {add = true} : memref<5x10240xf32, #tpu.memory_space<vmem>>[vector<16xi32>, vector<16xi32>], vector<16xf32>,
      tpu.vector_store_idx %arg7[%broadcast_in_dim3A_24, %get3A_232], %get3A_234 {add = true} : memref<5x10240xf32, #tpu.memory_space<vmem>>[vector<16xi32>, vector<16xi32>], vector<16xf32>,
      tpu.vector_store_idx %arg7[%broadcast_in_dim3A_26, %get3A_232], %broadcast_in_dim3A_16 {add = true} : memref<5x10240xf32, #tpu.memory_space<vmem>>[vector<16xi32>, vector<16xi32>], vector<16xf32>,
      %scan3A_247 = arith.constant 1 : i32
      %scan3A_248 = arith.addi %scan3A_225, %scan3A_247 : i32
      %mul3A_249 = arith.constant 16 : i32
      %mul3A_250 = arith.muli %scan3A_248, %mul3A_249 : i32
      %multiple_of3A_251 = tpu.assume_multiple %mul3A_250, 16 : i32
      %get3A_252 = arith.index_cast %multiple_of3A_251 : i32 to index
      %get3A_253 = tpu.vector_load %arg9[%get3A_252] {strides = array<i32>} : memref<2000xi32, #tpu.memory_space<vmem>>, vector<16xi32>,
      %get3A_254 = arith.index_cast %multiple_of3A_251 : i32 to index
      %get3A_255 = tpu.vector_load %arg10[%get3A_254] {strides = array<i32>} : memref<2000xi32, #tpu.memory_space<vmem>>, vector<16xi32>,
      %get3A_256 = arith.index_cast %multiple_of3A_251 : i32 to index
      %get3A_257 = tpu.vector_load %arg11[%get3A_256] {strides = array<i32>} : memref<2000xf32, #tpu.memory_space<vmem>>, vector<16xf32>,
      %gather3A_258 = tpu.vector_load_idx %arg8[%get3A_253] : memref<30720xf32, #tpu.memory_space<vmem>>[vector<16xi32>], vector<16xf32>,
      %add3A_259 = arith.constant 10240 : i32
      %add3A_260 = vector.broadcast %add3A_259 : i32 to vector<16xi32>
      %add3A_261 = arith.addi %get3A_253, %add3A_260 : vector<16xi32>
      %gather3A_262 = tpu.vector_load_idx %arg8[%add3A_261] : memref<30720xf32, #tpu.memory_space<vmem>>[vector<16xi32>], vector<16xf32>,
      %add3A_263 = arith.constant 20480 : i32
      %add3A_264 = vector.broadcast %add3A_263 : i32 to vector<16xi32>
      %add3A_265 = arith.addi %get3A_253, %add3A_264 : vector<16xi32>
      %gather3A_266 = tpu.vector_load_idx %arg8[%add3A_265] : memref<30720xf32, #tpu.memory_space<vmem>>[vector<16xi32>], vector<16xf32>,
      %mul3A_267 = arith.mulf %gather3A_258, %get3A_257 : vector<16xf32>
      tpu.vector_store_idx %arg7[%broadcast_in_dim3A_18, %get3A_255], %mul3A_267 {add = true} : memref<5x10240xf32, #tpu.memory_space<vmem>>[vector<16xi32>, vector<16xi32>], vector<16xf32>,
      %mul3A_268 = arith.mulf %gather3A_262, %get3A_257 : vector<16xf32>
      tpu.vector_store_idx %arg7[%broadcast_in_dim3A_20, %get3A_255], %mul3A_268 {add = true} : memref<5x10240xf32, #tpu.memory_space<vmem>>[vector<16xi32>, vector<16xi32>], vector<16xf32>,
      %mul3A_269 = arith.mulf %gather3A_266, %get3A_257 : vector<16xf32>
      tpu.vector_store_idx %arg7[%broadcast_in_dim3A_22, %get3A_255], %mul3A_269 {add = true} : memref<5x10240xf32, #tpu.memory_space<vmem>>[vector<16xi32>, vector<16xi32>], vector<16xf32>,
      tpu.vector_store_idx %arg7[%broadcast_in_dim3A_24, %get3A_255], %get3A_257 {add = true} : memref<5x10240xf32, #tpu.memory_space<vmem>>[vector<16xi32>, vector<16xi32>], vector<16xf32>,
      tpu.vector_store_idx %arg7[%broadcast_in_dim3A_26, %get3A_255], %broadcast_in_dim3A_16 {add = true} : memref<5x10240xf32, #tpu.memory_space<vmem>>[vector<16xi32>, vector<16xi32>], vector<16xf32>,
    }
    %scan3A_44 = arith.constant 124 : i32
    %scan3A_45 = arith.addi %scan3A_40, %scan3A_44 : i32
    %mul3A_46 = arith.constant 16 : i32
    %mul3A_47 = arith.muli %scan3A_45, %mul3A_46 : i32
    %multiple_of3A = tpu.assume_multiple %mul3A_47, 16 : i32
    %get3A = arith.index_cast %multiple_of3A : i32 to index
    %get3A_48 = tpu.vector_load %arg9[%get3A] {strides = array<i32>} : memref<2000xi32, #tpu.memory_space<vmem>>, vector<16xi32>,
    %get3A_49 = arith.index_cast %multiple_of3A : i32 to index
    %get3A_50 = tpu.vector_load %arg10[%get3A_49] {strides = array<i32>} : memref<2000xi32, #tpu.memory_space<vmem>>, vector<16xi32>,
    %get3A_51 = arith.index_cast %multiple_of3A : i32 to index
    %get3A_52 = tpu.vector_load %arg11[%get3A_51] {strides = array<i32>} : memref<2000xf32, #tpu.memory_space<vmem>>, vector<16xf32>,
    %gather3A = tpu.vector_load_idx %arg8[%get3A_48] : memref<30720xf32, #tpu.memory_space<vmem>>[vector<16xi32>], vector<16xf32>,
    %add3A_53 = arith.constant 10240 : i32
    %add3A_54 = vector.broadcast %add3A_53 : i32 to vector<16xi32>
    %add3A_55 = arith.addi %get3A_48, %add3A_54 : vector<16xi32>
    %gather3A_56 = tpu.vector_load_idx %arg8[%add3A_55] : memref<30720xf32, #tpu.memory_space<vmem>>[vector<16xi32>], vector<16xf32>,
    %add3A_57 = arith.constant 20480 : i32
    %add3A_58 = vector.broadcast %add3A_57 : i32 to vector<16xi32>
    %add3A_59 = arith.addi %get3A_48, %add3A_58 : vector<16xi32>
    %gather3A_60 = tpu.vector_load_idx %arg8[%add3A_59] : memref<30720xf32, #tpu.memory_space<vmem>>[vector<16xi32>], vector<16xf32>,
    %mul3A_61 = arith.mulf %gather3A, %get3A_52 : vector<16xf32>
    tpu.vector_store_idx %arg7[%broadcast_in_dim3A_18, %get3A_50], %mul3A_61 {add = true} : memref<5x10240xf32, #tpu.memory_space<vmem>>[vector<16xi32>, vector<16xi32>], vector<16xf32>,
    %mul3A_62 = arith.mulf %gather3A_56, %get3A_52 : vector<16xf32>
    tpu.vector_store_idx %arg7[%broadcast_in_dim3A_20, %get3A_50], %mul3A_62 {add = true} : memref<5x10240xf32, #tpu.memory_space<vmem>>[vector<16xi32>, vector<16xi32>], vector<16xf32>,
    %mul3A_63 = arith.mulf %gather3A_60, %get3A_52 : vector<16xf32>
    tpu.vector_store_idx %arg7[%broadcast_in_dim3A_22, %get3A_50], %mul3A_63 {add = true} : memref<5x10240xf32, #tpu.memory_space<vmem>>[vector<16xi32>, vector<16xi32>], vector<16xf32>,
    tpu.vector_store_idx %arg7[%broadcast_in_dim3A_24, %get3A_50], %get3A_52 {add = true} : memref<5x10240xf32, #tpu.memory_space<vmem>>[vector<16xi32>, vector<16xi32>], vector<16xf32>,
    tpu.vector_store_idx %arg7[%broadcast_in_dim3A_26, %get3A_50], %broadcast_in_dim3A_16 {add = true} : memref<5x10240xf32, #tpu.memory_space<vmem>>[vector<16xi32>, vector<16xi32>], vector<16xf32>,
    %scan3A_64 = arith.constant 125 : i32
    %dma_wait3A_65 = tpu.memref_slice %arg2[%add3A_33] : memref<320000xi32, #tpu.memory_space<hbm>> -> memref<2000xi32, #tpu.memory_space<hbm>>
    %dma_wait3A_66 = tpu.memref_slice %arg2[%add3A_33] : memref<320000xi32, #tpu.memory_space<hbm>> -> memref<2000xi32, #tpu.memory_space<hbm>>
    tpu.wait_dma2 semaphore(%arg15 : memref<!tpu.dma_semaphore, #tpu.memory_space<semaphore_mem>>) src(%dma_wait3A_66 : memref<2000xi32, #tpu.memory_space<hbm>>) dst(%arg12 : memref<2000xi32, #tpu.memory_space<vmem>>)
    %dma_wait3A_67 = tpu.memref_slice %arg3[%add3A_33] : memref<320000xi32, #tpu.memory_space<hbm>> -> memref<2000xi32, #tpu.memory_space<hbm>>
    %dma_wait3A_68 = tpu.memref_slice %arg3[%add3A_33] : memref<320000xi32, #tpu.memory_space<hbm>> -> memref<2000xi32, #tpu.memory_space<hbm>>
    tpu.wait_dma2 semaphore(%arg15 : memref<!tpu.dma_semaphore, #tpu.memory_space<semaphore_mem>>) src(%dma_wait3A_68 : memref<2000xi32, #tpu.memory_space<hbm>>) dst(%arg13 : memref<2000xi32, #tpu.memory_space<vmem>>)
    %dma_wait3A_69 = tpu.memref_slice %arg4[%add3A_33] : memref<320000xf32, #tpu.memory_space<hbm>> -> memref<2000xf32, #tpu.memory_space<hbm>>
    %dma_wait3A_70 = tpu.memref_slice %arg4[%add3A_33] : memref<320000xf32, #tpu.memory_space<hbm>> -> memref<2000xf32, #tpu.memory_space<hbm>>
    tpu.wait_dma2 semaphore(%arg15 : memref<!tpu.dma_semaphore, #tpu.memory_space<semaphore_mem>>) src(%dma_wait3A_70 : memref<2000xf32, #tpu.memory_space<hbm>>) dst(%arg14 : memref<2000xf32, #tpu.memory_space<vmem>>)
    %add3A_71 = arith.constant 4000 : i32
    %add3A_72 = arith.addi %mul3A_2, %add3A_71 : i32
    %dma_start3A_73 = tpu.memref_slice %arg2[%add3A_72] : memref<320000xi32, #tpu.memory_space<hbm>> -> memref<2000xi32, #tpu.memory_space<hbm>>
    %dma_start3A_74 = tpu.memref_slice %arg2[%add3A_72] : memref<320000xi32, #tpu.memory_space<hbm>> -> memref<2000xi32, #tpu.memory_space<hbm>>
    tpu.enqueue_dma source(%dma_start3A_74 : memref<2000xi32, #tpu.memory_space<hbm>>) target(%arg9 : memref<2000xi32, #tpu.memory_space<vmem>>) target_semaphore(%arg15 : memref<!tpu.dma_semaphore, #tpu.memory_space<semaphore_mem>>)
    %dma_start3A_75 = tpu.memref_slice %arg3[%add3A_72] : memref<320000xi32, #tpu.memory_space<hbm>> -> memref<2000xi32, #tpu.memory_space<hbm>>
    %dma_start3A_76 = tpu.memref_slice %arg3[%add3A_72] : memref<320000xi32, #tpu.memory_space<hbm>> -> memref<2000xi32, #tpu.memory_space<hbm>>
    tpu.enqueue_dma source(%dma_start3A_76 : memref<2000xi32, #tpu.memory_space<hbm>>) target(%arg10 : memref<2000xi32, #tpu.memory_space<vmem>>) target_semaphore(%arg15 : memref<!tpu.dma_semaphore, #tpu.memory_space<semaphore_mem>>)
    %dma_start3A_77 = tpu.memref_slice %arg4[%add3A_72] : memref<320000xf32, #tpu.memory_space<hbm>> -> memref<2000xf32, #tpu.memory_space<hbm>>
    %dma_start3A_78 = tpu.memref_slice %arg4[%add3A_72] : memref<320000xf32, #tpu.memory_space<hbm>> -> memref<2000xf32, #tpu.memory_space<hbm>>
    tpu.enqueue_dma source(%dma_start3A_78 : memref<2000xf32, #tpu.memory_space<hbm>>) target(%arg11 : memref<2000xf32, #tpu.memory_space<vmem>>) target_semaphore(%arg15 : memref<!tpu.dma_semaphore, #tpu.memory_space<semaphore_mem>>)
    %scan3A_79 = arith.constant 0 : i32
    %scan3A_80 = arith.constant 124 : i32
    %scan3A_81 = arith.addi %scan3A_79, %scan3A_80 : i32
    %scan3A_82 = arith.constant 2 : i32
    scf.for %scan3A_225 = %scan3A_79 to %scan3A_81 step %scan3A_82  : i32 {
      %mul3A_226 = arith.constant 16 : i32
      %mul3A_227 = arith.muli %scan3A_225, %mul3A_226 : i32
      %multiple_of3A_228 = tpu.assume_multiple %mul3A_227, 16 : i32
      %get3A_229 = arith.index_cast %multiple_of3A_228 : i32 to index
      %get3A_230 = tpu.vector_load %arg12[%get3A_229] {strides = array<i32>} : memref<2000xi32, #tpu.memory_space<vmem>>, vector<16xi32>,
      %get3A_231 = arith.index_cast %multiple_of3A_228 : i32 to index
      %get3A_232 = tpu.vector_load %arg13[%get3A_231] {strides = array<i32>} : memref<2000xi32, #tpu.memory_space<vmem>>, vector<16xi32>,
      %get3A_233 = arith.index_cast %multiple_of3A_228 : i32 to index
      %get3A_234 = tpu.vector_load %arg14[%get3A_233] {strides = array<i32>} : memref<2000xf32, #tpu.memory_space<vmem>>, vector<16xf32>,
      %gather3A_235 = tpu.vector_load_idx %arg8[%get3A_230] : memref<30720xf32, #tpu.memory_space<vmem>>[vector<16xi32>], vector<16xf32>,
      %add3A_236 = arith.constant 10240 : i32
      %add3A_237 = vector.broadcast %add3A_236 : i32 to vector<16xi32>
      %add3A_238 = arith.addi %get3A_230, %add3A_237 : vector<16xi32>
      %gather3A_239 = tpu.vector_load_idx %arg8[%add3A_238] : memref<30720xf32, #tpu.memory_space<vmem>>[vector<16xi32>], vector<16xf32>,
      %add3A_240 = arith.constant 20480 : i32
      %add3A_241 = vector.broadcast %add3A_240 : i32 to vector<16xi32>
      %add3A_242 = arith.addi %get3A_230, %add3A_241 : vector<16xi32>
      %gather3A_243 = tpu.vector_load_idx %arg8[%add3A_242] : memref<30720xf32, #tpu.memory_space<vmem>>[vector<16xi32>], vector<16xf32>,
      %mul3A_244 = arith.mulf %gather3A_235, %get3A_234 : vector<16xf32>
      tpu.vector_store_idx %arg7[%broadcast_in_dim3A_18, %get3A_232], %mul3A_244 {add = true} : memref<5x10240xf32, #tpu.memory_space<vmem>>[vector<16xi32>, vector<16xi32>], vector<16xf32>,
      %mul3A_245 = arith.mulf %gather3A_239, %get3A_234 : vector<16xf32>
      tpu.vector_store_idx %arg7[%broadcast_in_dim3A_20, %get3A_232], %mul3A_245 {add = true} : memref<5x10240xf32, #tpu.memory_space<vmem>>[vector<16xi32>, vector<16xi32>], vector<16xf32>,
      %mul3A_246 = arith.mulf %gather3A_243, %get3A_234 : vector<16xf32>
      tpu.vector_store_idx %arg7[%broadcast_in_dim3A_22, %get3A_232], %mul3A_246 {add = true} : memref<5x10240xf32, #tpu.memory_space<vmem>>[vector<16xi32>, vector<16xi32>], vector<16xf32>,
      tpu.vector_store_idx %arg7[%broadcast_in_dim3A_24, %get3A_232], %get3A_234 {add = true} : memref<5x10240xf32, #tpu.memory_space<vmem>>[vector<16xi32>, vector<16xi32>], vector<16xf32>,
      tpu.vector_store_idx %arg7[%broadcast_in_dim3A_26, %get3A_232], %broadcast_in_dim3A_16 {add = true} : memref<5x10240xf32, #tpu.memory_space<vmem>>[vector<16xi32>, vector<16xi32>], vector<16xf32>,
      %scan3A_247 = arith.constant 1 : i32
      %scan3A_248 = arith.addi %scan3A_225, %scan3A_247 : i32
      %mul3A_249 = arith.constant 16 : i32
      %mul3A_250 = arith.muli %scan3A_248, %mul3A_249 : i32
      %multiple_of3A_251 = tpu.assume_multiple %mul3A_250, 16 : i32
      %get3A_252 = arith.index_cast %multiple_of3A_251 : i32 to index
      %get3A_253 = tpu.vector_load %arg12[%get3A_252] {strides = array<i32>} : memref<2000xi32, #tpu.memory_space<vmem>>, vector<16xi32>,
      %get3A_254 = arith.index_cast %multiple_of3A_251 : i32 to index
      %get3A_255 = tpu.vector_load %arg13[%get3A_254] {strides = array<i32>} : memref<2000xi32, #tpu.memory_space<vmem>>, vector<16xi32>,
      %get3A_256 = arith.index_cast %multiple_of3A_251 : i32 to index
      %get3A_257 = tpu.vector_load %arg14[%get3A_256] {strides = array<i32>} : memref<2000xf32, #tpu.memory_space<vmem>>, vector<16xf32>,
      %gather3A_258 = tpu.vector_load_idx %arg8[%get3A_253] : memref<30720xf32, #tpu.memory_space<vmem>>[vector<16xi32>], vector<16xf32>,
      %add3A_259 = arith.constant 10240 : i32
      %add3A_260 = vector.broadcast %add3A_259 : i32 to vector<16xi32>
      %add3A_261 = arith.addi %get3A_253, %add3A_260 : vector<16xi32>
      %gather3A_262 = tpu.vector_load_idx %arg8[%add3A_261] : memref<30720xf32, #tpu.memory_space<vmem>>[vector<16xi32>], vector<16xf32>,
      %add3A_263 = arith.constant 20480 : i32
      %add3A_264 = vector.broadcast %add3A_263 : i32 to vector<16xi32>
      %add3A_265 = arith.addi %get3A_253, %add3A_264 : vector<16xi32>
      %gather3A_266 = tpu.vector_load_idx %arg8[%add3A_265] : memref<30720xf32, #tpu.memory_space<vmem>>[vector<16xi32>], vector<16xf32>,
      %mul3A_267 = arith.mulf %gather3A_258, %get3A_257 : vector<16xf32>
      tpu.vector_store_idx %arg7[%broadcast_in_dim3A_18, %get3A_255], %mul3A_267 {add = true} : memref<5x10240xf32, #tpu.memory_space<vmem>>[vector<16xi32>, vector<16xi32>], vector<16xf32>,
      %mul3A_268 = arith.mulf %gather3A_262, %get3A_257 : vector<16xf32>
      tpu.vector_store_idx %arg7[%broadcast_in_dim3A_20, %get3A_255], %mul3A_268 {add = true} : memref<5x10240xf32, #tpu.memory_space<vmem>>[vector<16xi32>, vector<16xi32>], vector<16xf32>,
      %mul3A_269 = arith.mulf %gather3A_266, %get3A_257 : vector<16xf32>
      tpu.vector_store_idx %arg7[%broadcast_in_dim3A_22, %get3A_255], %mul3A_269 {add = true} : memref<5x10240xf32, #tpu.memory_space<vmem>>[vector<16xi32>, vector<16xi32>], vector<16xf32>,
      tpu.vector_store_idx %arg7[%broadcast_in_dim3A_24, %get3A_255], %get3A_257 {add = true} : memref<5x10240xf32, #tpu.memory_space<vmem>>[vector<16xi32>, vector<16xi32>], vector<16xf32>,
      tpu.vector_store_idx %arg7[%broadcast_in_dim3A_26, %get3A_255], %broadcast_in_dim3A_16 {add = true} : memref<5x10240xf32, #tpu.memory_space<vmem>>[vector<16xi32>, vector<16xi32>], vector<16xf32>,
    }
    %scan3A_83 = arith.constant 124 : i32
    %scan3A_84 = arith.addi %scan3A_79, %scan3A_83 : i32
    %mul3A_85 = arith.constant 16 : i32
    %mul3A_86 = arith.muli %scan3A_84, %mul3A_85 : i32
    %multiple_of3A_87 = tpu.assume_multiple %mul3A_86, 16 : i32
    %get3A_88 = arith.index_cast %multiple_of3A_87 : i32 to index
    %get3A_89 = tpu.vector_load %arg12[%get3A_88] {strides = array<i32>} : memref<2000xi32, #tpu.memory_space<vmem>>, vector<16xi32>,
    %get3A_90 = arith.index_cast %multiple_of3A_87 : i32 to index
    %get3A_91 = tpu.vector_load %arg13[%get3A_90] {strides = array<i32>} : memref<2000xi32, #tpu.memory_space<vmem>>, vector<16xi32>,
    %get3A_92 = arith.index_cast %multiple_of3A_87 : i32 to index
    %get3A_93 = tpu.vector_load %arg14[%get3A_92] {strides = array<i32>} : memref<2000xf32, #tpu.memory_space<vmem>>, vector<16xf32>,
    %gather3A_94 = tpu.vector_load_idx %arg8[%get3A_89] : memref<30720xf32, #tpu.memory_space<vmem>>[vector<16xi32>], vector<16xf32>,
    %add3A_95 = arith.constant 10240 : i32
    %add3A_96 = vector.broadcast %add3A_95 : i32 to vector<16xi32>
    %add3A_97 = arith.addi %get3A_89, %add3A_96 : vector<16xi32>
    %gather3A_98 = tpu.vector_load_idx %arg8[%add3A_97] : memref<30720xf32, #tpu.memory_space<vmem>>[vector<16xi32>], vector<16xf32>,
    %add3A_99 = arith.constant 20480 : i32
    %add3A_100 = vector.broadcast %add3A_99 : i32 to vector<16xi32>
    %add3A_101 = arith.addi %get3A_89, %add3A_100 : vector<16xi32>
    %gather3A_102 = tpu.vector_load_idx %arg8[%add3A_101] : memref<30720xf32, #tpu.memory_space<vmem>>[vector<16xi32>], vector<16xf32>,
    %mul3A_103 = arith.mulf %gather3A_94, %get3A_93 : vector<16xf32>
    tpu.vector_store_idx %arg7[%broadcast_in_dim3A_18, %get3A_91], %mul3A_103 {add = true} : memref<5x10240xf32, #tpu.memory_space<vmem>>[vector<16xi32>, vector<16xi32>], vector<16xf32>,
    %mul3A_104 = arith.mulf %gather3A_98, %get3A_93 : vector<16xf32>
    tpu.vector_store_idx %arg7[%broadcast_in_dim3A_20, %get3A_91], %mul3A_104 {add = true} : memref<5x10240xf32, #tpu.memory_space<vmem>>[vector<16xi32>, vector<16xi32>], vector<16xf32>,
    %mul3A_105 = arith.mulf %gather3A_102, %get3A_93 : vector<16xf32>
    tpu.vector_store_idx %arg7[%broadcast_in_dim3A_22, %get3A_91], %mul3A_105 {add = true} : memref<5x10240xf32, #tpu.memory_space<vmem>>[vector<16xi32>, vector<16xi32>], vector<16xf32>,
    tpu.vector_store_idx %arg7[%broadcast_in_dim3A_24, %get3A_91], %get3A_93 {add = true} : memref<5x10240xf32, #tpu.memory_space<vmem>>[vector<16xi32>, vector<16xi32>], vector<16xf32>,
    tpu.vector_store_idx %arg7[%broadcast_in_dim3A_26, %get3A_91], %broadcast_in_dim3A_16 {add = true} : memref<5x10240xf32, #tpu.memory_space<vmem>>[vector<16xi32>, vector<16xi32>], vector<16xf32>,
    %scan3A_106 = arith.constant 125 : i32
    %dma_wait3A_107 = tpu.memref_slice %arg2[%add3A_72] : memref<320000xi32, #tpu.memory_space<hbm>> -> memref<2000xi32, #tpu.memory_space<hbm>>
    %dma_wait3A_108 = tpu.memref_slice %arg2[%add3A_72] : memref<320000xi32, #tpu.memory_space<hbm>> -> memref<2000xi32, #tpu.memory_space<hbm>>
    tpu.wait_dma2 semaphore(%arg15 : memref<!tpu.dma_semaphore, #tpu.memory_space<semaphore_mem>>) src(%dma_wait3A_108 : memref<2000xi32, #tpu.memory_space<hbm>>) dst(%arg9 : memref<2000xi32, #tpu.memory_space<vmem>>)
    %dma_wait3A_109 = tpu.memref_slice %arg3[%add3A_72] : memref<320000xi32, #tpu.memory_space<hbm>> -> memref<2000xi32, #tpu.memory_space<hbm>>
    %dma_wait3A_110 = tpu.memref_slice %arg3[%add3A_72] : memref<320000xi32, #tpu.memory_space<hbm>> -> memref<2000xi32, #tpu.memory_space<hbm>>
    tpu.wait_dma2 semaphore(%arg15 : memref<!tpu.dma_semaphore, #tpu.memory_space<semaphore_mem>>) src(%dma_wait3A_110 : memref<2000xi32, #tpu.memory_space<hbm>>) dst(%arg10 : memref<2000xi32, #tpu.memory_space<vmem>>)
    %dma_wait3A_111 = tpu.memref_slice %arg4[%add3A_72] : memref<320000xf32, #tpu.memory_space<hbm>> -> memref<2000xf32, #tpu.memory_space<hbm>>
    %dma_wait3A_112 = tpu.memref_slice %arg4[%add3A_72] : memref<320000xf32, #tpu.memory_space<hbm>> -> memref<2000xf32, #tpu.memory_space<hbm>>
    tpu.wait_dma2 semaphore(%arg15 : memref<!tpu.dma_semaphore, #tpu.memory_space<semaphore_mem>>) src(%dma_wait3A_112 : memref<2000xf32, #tpu.memory_space<hbm>>) dst(%arg11 : memref<2000xf32, #tpu.memory_space<vmem>>)
    %add3A_113 = arith.constant 6000 : i32
    %add3A_114 = arith.addi %mul3A_2, %add3A_113 : i32
    %dma_start3A_115 = tpu.memref_slice %arg2[%add3A_114] : memref<320000xi32, #tpu.memory_space<hbm>> -> memref<2000xi32, #tpu.memory_space<hbm>>
    %dma_start3A_116 = tpu.memref_slice %arg2[%add3A_114] : memref<320000xi32, #tpu.memory_space<hbm>> -> memref<2000xi32, #tpu.memory_space<hbm>>
    tpu.enqueue_dma source(%dma_start3A_116 : memref<2000xi32, #tpu.memory_space<hbm>>) target(%arg12 : memref<2000xi32, #tpu.memory_space<vmem>>) target_semaphore(%arg15 : memref<!tpu.dma_semaphore, #tpu.memory_space<semaphore_mem>>)
    %dma_start3A_117 = tpu.memref_slice %arg3[%add3A_114] : memref<320000xi32, #tpu.memory_space<hbm>> -> memref<2000xi32, #tpu.memory_space<hbm>>
    %dma_start3A_118 = tpu.memref_slice %arg3[%add3A_114] : memref<320000xi32, #tpu.memory_space<hbm>> -> memref<2000xi32, #tpu.memory_space<hbm>>
    tpu.enqueue_dma source(%dma_start3A_118 : memref<2000xi32, #tpu.memory_space<hbm>>) target(%arg13 : memref<2000xi32, #tpu.memory_space<vmem>>) target_semaphore(%arg15 : memref<!tpu.dma_semaphore, #tpu.memory_space<semaphore_mem>>)
    %dma_start3A_119 = tpu.memref_slice %arg4[%add3A_114] : memref<320000xf32, #tpu.memory_space<hbm>> -> memref<2000xf32, #tpu.memory_space<hbm>>
    %dma_start3A_120 = tpu.memref_slice %arg4[%add3A_114] : memref<320000xf32, #tpu.memory_space<hbm>> -> memref<2000xf32, #tpu.memory_space<hbm>>
    tpu.enqueue_dma source(%dma_start3A_120 : memref<2000xf32, #tpu.memory_space<hbm>>) target(%arg14 : memref<2000xf32, #tpu.memory_space<vmem>>) target_semaphore(%arg15 : memref<!tpu.dma_semaphore, #tpu.memory_space<semaphore_mem>>)
    %scan3A_121 = arith.constant 0 : i32
    %scan3A_122 = arith.constant 124 : i32
    %scan3A_123 = arith.addi %scan3A_121, %scan3A_122 : i32
    %scan3A_124 = arith.constant 2 : i32
    scf.for %scan3A_225 = %scan3A_121 to %scan3A_123 step %scan3A_124  : i32 {
      %mul3A_226 = arith.constant 16 : i32
      %mul3A_227 = arith.muli %scan3A_225, %mul3A_226 : i32
      %multiple_of3A_228 = tpu.assume_multiple %mul3A_227, 16 : i32
      %get3A_229 = arith.index_cast %multiple_of3A_228 : i32 to index
      %get3A_230 = tpu.vector_load %arg9[%get3A_229] {strides = array<i32>} : memref<2000xi32, #tpu.memory_space<vmem>>, vector<16xi32>,
      %get3A_231 = arith.index_cast %multiple_of3A_228 : i32 to index
      %get3A_232 = tpu.vector_load %arg10[%get3A_231] {strides = array<i32>} : memref<2000xi32, #tpu.memory_space<vmem>>, vector<16xi32>,
      %get3A_233 = arith.index_cast %multiple_of3A_228 : i32 to index
      %get3A_234 = tpu.vector_load %arg11[%get3A_233] {strides = array<i32>} : memref<2000xf32, #tpu.memory_space<vmem>>, vector<16xf32>,
      %gather3A_235 = tpu.vector_load_idx %arg8[%get3A_230] : memref<30720xf32, #tpu.memory_space<vmem>>[vector<16xi32>], vector<16xf32>,
      %add3A_236 = arith.constant 10240 : i32
      %add3A_237 = vector.broadcast %add3A_236 : i32 to vector<16xi32>
      %add3A_238 = arith.addi %get3A_230, %add3A_237 : vector<16xi32>
      %gather3A_239 = tpu.vector_load_idx %arg8[%add3A_238] : memref<30720xf32, #tpu.memory_space<vmem>>[vector<16xi32>], vector<16xf32>,
      %add3A_240 = arith.constant 20480 : i32
      %add3A_241 = vector.broadcast %add3A_240 : i32 to vector<16xi32>
      %add3A_242 = arith.addi %get3A_230, %add3A_241 : vector<16xi32>
      %gather3A_243 = tpu.vector_load_idx %arg8[%add3A_242] : memref<30720xf32, #tpu.memory_space<vmem>>[vector<16xi32>], vector<16xf32>,
      %mul3A_244 = arith.mulf %gather3A_235, %get3A_234 : vector<16xf32>
      tpu.vector_store_idx %arg7[%broadcast_in_dim3A_18, %get3A_232], %mul3A_244 {add = true} : memref<5x10240xf32, #tpu.memory_space<vmem>>[vector<16xi32>, vector<16xi32>], vector<16xf32>,
      %mul3A_245 = arith.mulf %gather3A_239, %get3A_234 : vector<16xf32>
      tpu.vector_store_idx %arg7[%broadcast_in_dim3A_20, %get3A_232], %mul3A_245 {add = true} : memref<5x10240xf32, #tpu.memory_space<vmem>>[vector<16xi32>, vector<16xi32>], vector<16xf32>,
      %mul3A_246 = arith.mulf %gather3A_243, %get3A_234 : vector<16xf32>
      tpu.vector_store_idx %arg7[%broadcast_in_dim3A_22, %get3A_232], %mul3A_246 {add = true} : memref<5x10240xf32, #tpu.memory_space<vmem>>[vector<16xi32>, vector<16xi32>], vector<16xf32>,
      tpu.vector_store_idx %arg7[%broadcast_in_dim3A_24, %get3A_232], %get3A_234 {add = true} : memref<5x10240xf32, #tpu.memory_space<vmem>>[vector<16xi32>, vector<16xi32>], vector<16xf32>,
      tpu.vector_store_idx %arg7[%broadcast_in_dim3A_26, %get3A_232], %broadcast_in_dim3A_16 {add = true} : memref<5x10240xf32, #tpu.memory_space<vmem>>[vector<16xi32>, vector<16xi32>], vector<16xf32>,
      %scan3A_247 = arith.constant 1 : i32
      %scan3A_248 = arith.addi %scan3A_225, %scan3A_247 : i32
      %mul3A_249 = arith.constant 16 : i32
      %mul3A_250 = arith.muli %scan3A_248, %mul3A_249 : i32
      %multiple_of3A_251 = tpu.assume_multiple %mul3A_250, 16 : i32
      %get3A_252 = arith.index_cast %multiple_of3A_251 : i32 to index
      %get3A_253 = tpu.vector_load %arg9[%get3A_252] {strides = array<i32>} : memref<2000xi32, #tpu.memory_space<vmem>>, vector<16xi32>,
      %get3A_254 = arith.index_cast %multiple_of3A_251 : i32 to index
      %get3A_255 = tpu.vector_load %arg10[%get3A_254] {strides = array<i32>} : memref<2000xi32, #tpu.memory_space<vmem>>, vector<16xi32>,
      %get3A_256 = arith.index_cast %multiple_of3A_251 : i32 to index
      %get3A_257 = tpu.vector_load %arg11[%get3A_256] {strides = array<i32>} : memref<2000xf32, #tpu.memory_space<vmem>>, vector<16xf32>,
      %gather3A_258 = tpu.vector_load_idx %arg8[%get3A_253] : memref<30720xf32, #tpu.memory_space<vmem>>[vector<16xi32>], vector<16xf32>,
      %add3A_259 = arith.constant 10240 : i32
      %add3A_260 = vector.broadcast %add3A_259 : i32 to vector<16xi32>
      %add3A_261 = arith.addi %get3A_253, %add3A_260 : vector<16xi32>
      %gather3A_262 = tpu.vector_load_idx %arg8[%add3A_261] : memref<30720xf32, #tpu.memory_space<vmem>>[vector<16xi32>], vector<16xf32>,
      %add3A_263 = arith.constant 20480 : i32
      %add3A_264 = vector.broadcast %add3A_263 : i32 to vector<16xi32>
      %add3A_265 = arith.addi %get3A_253, %add3A_264 : vector<16xi32>
      %gather3A_266 = tpu.vector_load_idx %arg8[%add3A_265] : memref<30720xf32, #tpu.memory_space<vmem>>[vector<16xi32>], vector<16xf32>,
      %mul3A_267 = arith.mulf %gather3A_258, %get3A_257 : vector<16xf32>
      tpu.vector_store_idx %arg7[%broadcast_in_dim3A_18, %get3A_255], %mul3A_267 {add = true} : memref<5x10240xf32, #tpu.memory_space<vmem>>[vector<16xi32>, vector<16xi32>], vector<16xf32>,
      %mul3A_268 = arith.mulf %gather3A_262, %get3A_257 : vector<16xf32>
      tpu.vector_store_idx %arg7[%broadcast_in_dim3A_20, %get3A_255], %mul3A_268 {add = true} : memref<5x10240xf32, #tpu.memory_space<vmem>>[vector<16xi32>, vector<16xi32>], vector<16xf32>,
      %mul3A_269 = arith.mulf %gather3A_266, %get3A_257 : vector<16xf32>
      tpu.vector_store_idx %arg7[%broadcast_in_dim3A_22, %get3A_255], %mul3A_269 {add = true} : memref<5x10240xf32, #tpu.memory_space<vmem>>[vector<16xi32>, vector<16xi32>], vector<16xf32>,
      tpu.vector_store_idx %arg7[%broadcast_in_dim3A_24, %get3A_255], %get3A_257 {add = true} : memref<5x10240xf32, #tpu.memory_space<vmem>>[vector<16xi32>, vector<16xi32>], vector<16xf32>,
      tpu.vector_store_idx %arg7[%broadcast_in_dim3A_26, %get3A_255], %broadcast_in_dim3A_16 {add = true} : memref<5x10240xf32, #tpu.memory_space<vmem>>[vector<16xi32>, vector<16xi32>], vector<16xf32>,
    }
    %scan3A_125 = arith.constant 124 : i32
    %scan3A_126 = arith.addi %scan3A_121, %scan3A_125 : i32
    %mul3A_127 = arith.constant 16 : i32
    %mul3A_128 = arith.muli %scan3A_126, %mul3A_127 : i32
    %multiple_of3A_129 = tpu.assume_multiple %mul3A_128, 16 : i32
    %get3A_130 = arith.index_cast %multiple_of3A_129 : i32 to index
    %get3A_131 = tpu.vector_load %arg9[%get3A_130] {strides = array<i32>} : memref<2000xi32, #tpu.memory_space<vmem>>, vector<16xi32>,
    %get3A_132 = arith.index_cast %multiple_of3A_129 : i32 to index
    %get3A_133 = tpu.vector_load %arg10[%get3A_132] {strides = array<i32>} : memref<2000xi32, #tpu.memory_space<vmem>>, vector<16xi32>,
    %get3A_134 = arith.index_cast %multiple_of3A_129 : i32 to index
    %get3A_135 = tpu.vector_load %arg11[%get3A_134] {strides = array<i32>} : memref<2000xf32, #tpu.memory_space<vmem>>, vector<16xf32>,
    %gather3A_136 = tpu.vector_load_idx %arg8[%get3A_131] : memref<30720xf32, #tpu.memory_space<vmem>>[vector<16xi32>], vector<16xf32>,
    %add3A_137 = arith.constant 10240 : i32
    %add3A_138 = vector.broadcast %add3A_137 : i32 to vector<16xi32>
    %add3A_139 = arith.addi %get3A_131, %add3A_138 : vector<16xi32>
    %gather3A_140 = tpu.vector_load_idx %arg8[%add3A_139] : memref<30720xf32, #tpu.memory_space<vmem>>[vector<16xi32>], vector<16xf32>,
    %add3A_141 = arith.constant 20480 : i32
    %add3A_142 = vector.broadcast %add3A_141 : i32 to vector<16xi32>
    %add3A_143 = arith.addi %get3A_131, %add3A_142 : vector<16xi32>
    %gather3A_144 = tpu.vector_load_idx %arg8[%add3A_143] : memref<30720xf32, #tpu.memory_space<vmem>>[vector<16xi32>], vector<16xf32>,
    %mul3A_145 = arith.mulf %gather3A_136, %get3A_135 : vector<16xf32>
    tpu.vector_store_idx %arg7[%broadcast_in_dim3A_18, %get3A_133], %mul3A_145 {add = true} : memref<5x10240xf32, #tpu.memory_space<vmem>>[vector<16xi32>, vector<16xi32>], vector<16xf32>,
    %mul3A_146 = arith.mulf %gather3A_140, %get3A_135 : vector<16xf32>
    tpu.vector_store_idx %arg7[%broadcast_in_dim3A_20, %get3A_133], %mul3A_146 {add = true} : memref<5x10240xf32, #tpu.memory_space<vmem>>[vector<16xi32>, vector<16xi32>], vector<16xf32>,
    %mul3A_147 = arith.mulf %gather3A_144, %get3A_135 : vector<16xf32>
    tpu.vector_store_idx %arg7[%broadcast_in_dim3A_22, %get3A_133], %mul3A_147 {add = true} : memref<5x10240xf32, #tpu.memory_space<vmem>>[vector<16xi32>, vector<16xi32>], vector<16xf32>,
    tpu.vector_store_idx %arg7[%broadcast_in_dim3A_24, %get3A_133], %get3A_135 {add = true} : memref<5x10240xf32, #tpu.memory_space<vmem>>[vector<16xi32>, vector<16xi32>], vector<16xf32>,
    tpu.vector_store_idx %arg7[%broadcast_in_dim3A_26, %get3A_133], %broadcast_in_dim3A_16 {add = true} : memref<5x10240xf32, #tpu.memory_space<vmem>>[vector<16xi32>, vector<16xi32>], vector<16xf32>,
    %scan3A_148 = arith.constant 125 : i32
    %dma_wait3A_149 = tpu.memref_slice %arg2[%add3A_114] : memref<320000xi32, #tpu.memory_space<hbm>> -> memref<2000xi32, #tpu.memory_space<hbm>>
    %dma_wait3A_150 = tpu.memref_slice %arg2[%add3A_114] : memref<320000xi32, #tpu.memory_space<hbm>> -> memref<2000xi32, #tpu.memory_space<hbm>>
    tpu.wait_dma2 semaphore(%arg15 : memref<!tpu.dma_semaphore, #tpu.memory_space<semaphore_mem>>) src(%dma_wait3A_150 : memref<2000xi32, #tpu.memory_space<hbm>>) dst(%arg12 : memref<2000xi32, #tpu.memory_space<vmem>>)
    %dma_wait3A_151 = tpu.memref_slice %arg3[%add3A_114] : memref<320000xi32, #tpu.memory_space<hbm>> -> memref<2000xi32, #tpu.memory_space<hbm>>
    %dma_wait3A_152 = tpu.memref_slice %arg3[%add3A_114] : memref<320000xi32, #tpu.memory_space<hbm>> -> memref<2000xi32, #tpu.memory_space<hbm>>
    tpu.wait_dma2 semaphore(%arg15 : memref<!tpu.dma_semaphore, #tpu.memory_space<semaphore_mem>>) src(%dma_wait3A_152 : memref<2000xi32, #tpu.memory_space<hbm>>) dst(%arg13 : memref<2000xi32, #tpu.memory_space<vmem>>)
    %dma_wait3A_153 = tpu.memref_slice %arg4[%add3A_114] : memref<320000xf32, #tpu.memory_space<hbm>> -> memref<2000xf32, #tpu.memory_space<hbm>>
    %dma_wait3A_154 = tpu.memref_slice %arg4[%add3A_114] : memref<320000xf32, #tpu.memory_space<hbm>> -> memref<2000xf32, #tpu.memory_space<hbm>>
    tpu.wait_dma2 semaphore(%arg15 : memref<!tpu.dma_semaphore, #tpu.memory_space<semaphore_mem>>) src(%dma_wait3A_154 : memref<2000xf32, #tpu.memory_space<hbm>>) dst(%arg14 : memref<2000xf32, #tpu.memory_space<vmem>>)
    %add3A_155 = arith.constant 8000 : i32
    %add3A_156 = arith.addi %mul3A_2, %add3A_155 : i32
    %dma_start3A_157 = tpu.memref_slice %arg2[%add3A_156] : memref<320000xi32, #tpu.memory_space<hbm>> -> memref<2000xi32, #tpu.memory_space<hbm>>
    %dma_start3A_158 = tpu.memref_slice %arg2[%add3A_156] : memref<320000xi32, #tpu.memory_space<hbm>> -> memref<2000xi32, #tpu.memory_space<hbm>>
    tpu.enqueue_dma source(%dma_start3A_158 : memref<2000xi32, #tpu.memory_space<hbm>>) target(%arg9 : memref<2000xi32, #tpu.memory_space<vmem>>) target_semaphore(%arg15 : memref<!tpu.dma_semaphore, #tpu.memory_space<semaphore_mem>>)
    %dma_start3A_159 = tpu.memref_slice %arg3[%add3A_156] : memref<320000xi32, #tpu.memory_space<hbm>> -> memref<2000xi32, #tpu.memory_space<hbm>>
    %dma_start3A_160 = tpu.memref_slice %arg3[%add3A_156] : memref<320000xi32, #tpu.memory_space<hbm>> -> memref<2000xi32, #tpu.memory_space<hbm>>
    tpu.enqueue_dma source(%dma_start3A_160 : memref<2000xi32, #tpu.memory_space<hbm>>) target(%arg10 : memref<2000xi32, #tpu.memory_space<vmem>>) target_semaphore(%arg15 : memref<!tpu.dma_semaphore, #tpu.memory_space<semaphore_mem>>)
    %dma_start3A_161 = tpu.memref_slice %arg4[%add3A_156] : memref<320000xf32, #tpu.memory_space<hbm>> -> memref<2000xf32, #tpu.memory_space<hbm>>
    %dma_start3A_162 = tpu.memref_slice %arg4[%add3A_156] : memref<320000xf32, #tpu.memory_space<hbm>> -> memref<2000xf32, #tpu.memory_space<hbm>>
    tpu.enqueue_dma source(%dma_start3A_162 : memref<2000xf32, #tpu.memory_space<hbm>>) target(%arg11 : memref<2000xf32, #tpu.memory_space<vmem>>) target_semaphore(%arg15 : memref<!tpu.dma_semaphore, #tpu.memory_space<semaphore_mem>>)
    %scan3A_163 = arith.constant 0 : i32
    %scan3A_164 = arith.constant 124 : i32
    %scan3A_165 = arith.addi %scan3A_163, %scan3A_164 : i32
    %scan3A_166 = arith.constant 2 : i32
    scf.for %scan3A_225 = %scan3A_163 to %scan3A_165 step %scan3A_166  : i32 {
      %mul3A_226 = arith.constant 16 : i32
      %mul3A_227 = arith.muli %scan3A_225, %mul3A_226 : i32
      %multiple_of3A_228 = tpu.assume_multiple %mul3A_227, 16 : i32
      %get3A_229 = arith.index_cast %multiple_of3A_228 : i32 to index
      %get3A_230 = tpu.vector_load %arg12[%get3A_229] {strides = array<i32>} : memref<2000xi32, #tpu.memory_space<vmem>>, vector<16xi32>,
      %get3A_231 = arith.index_cast %multiple_of3A_228 : i32 to index
      %get3A_232 = tpu.vector_load %arg13[%get3A_231] {strides = array<i32>} : memref<2000xi32, #tpu.memory_space<vmem>>, vector<16xi32>,
      %get3A_233 = arith.index_cast %multiple_of3A_228 : i32 to index
      %get3A_234 = tpu.vector_load %arg14[%get3A_233] {strides = array<i32>} : memref<2000xf32, #tpu.memory_space<vmem>>, vector<16xf32>,
      %gather3A_235 = tpu.vector_load_idx %arg8[%get3A_230] : memref<30720xf32, #tpu.memory_space<vmem>>[vector<16xi32>], vector<16xf32>,
      %add3A_236 = arith.constant 10240 : i32
      %add3A_237 = vector.broadcast %add3A_236 : i32 to vector<16xi32>
      %add3A_238 = arith.addi %get3A_230, %add3A_237 : vector<16xi32>
      %gather3A_239 = tpu.vector_load_idx %arg8[%add3A_238] : memref<30720xf32, #tpu.memory_space<vmem>>[vector<16xi32>], vector<16xf32>,
      %add3A_240 = arith.constant 20480 : i32
      %add3A_241 = vector.broadcast %add3A_240 : i32 to vector<16xi32>
      %add3A_242 = arith.addi %get3A_230, %add3A_241 : vector<16xi32>
      %gather3A_243 = tpu.vector_load_idx %arg8[%add3A_242] : memref<30720xf32, #tpu.memory_space<vmem>>[vector<16xi32>], vector<16xf32>,
      %mul3A_244 = arith.mulf %gather3A_235, %get3A_234 : vector<16xf32>
      tpu.vector_store_idx %arg7[%broadcast_in_dim3A_18, %get3A_232], %mul3A_244 {add = true} : memref<5x10240xf32, #tpu.memory_space<vmem>>[vector<16xi32>, vector<16xi32>], vector<16xf32>,
      %mul3A_245 = arith.mulf %gather3A_239, %get3A_234 : vector<16xf32>
      tpu.vector_store_idx %arg7[%broadcast_in_dim3A_20, %get3A_232], %mul3A_245 {add = true} : memref<5x10240xf32, #tpu.memory_space<vmem>>[vector<16xi32>, vector<16xi32>], vector<16xf32>,
      %mul3A_246 = arith.mulf %gather3A_243, %get3A_234 : vector<16xf32>
      tpu.vector_store_idx %arg7[%broadcast_in_dim3A_22, %get3A_232], %mul3A_246 {add = true} : memref<5x10240xf32, #tpu.memory_space<vmem>>[vector<16xi32>, vector<16xi32>], vector<16xf32>,
      tpu.vector_store_idx %arg7[%broadcast_in_dim3A_24, %get3A_232], %get3A_234 {add = true} : memref<5x10240xf32, #tpu.memory_space<vmem>>[vector<16xi32>, vector<16xi32>], vector<16xf32>,
      tpu.vector_store_idx %arg7[%broadcast_in_dim3A_26, %get3A_232], %broadcast_in_dim3A_16 {add = true} : memref<5x10240xf32, #tpu.memory_space<vmem>>[vector<16xi32>, vector<16xi32>], vector<16xf32>,
      %scan3A_247 = arith.constant 1 : i32
      %scan3A_248 = arith.addi %scan3A_225, %scan3A_247 : i32
      %mul3A_249 = arith.constant 16 : i32
      %mul3A_250 = arith.muli %scan3A_248, %mul3A_249 : i32
      %multiple_of3A_251 = tpu.assume_multiple %mul3A_250, 16 : i32
      %get3A_252 = arith.index_cast %multiple_of3A_251 : i32 to index
      %get3A_253 = tpu.vector_load %arg12[%get3A_252] {strides = array<i32>} : memref<2000xi32, #tpu.memory_space<vmem>>, vector<16xi32>,
      %get3A_254 = arith.index_cast %multiple_of3A_251 : i32 to index
      %get3A_255 = tpu.vector_load %arg13[%get3A_254] {strides = array<i32>} : memref<2000xi32, #tpu.memory_space<vmem>>, vector<16xi32>,
      %get3A_256 = arith.index_cast %multiple_of3A_251 : i32 to index
      %get3A_257 = tpu.vector_load %arg14[%get3A_256] {strides = array<i32>} : memref<2000xf32, #tpu.memory_space<vmem>>, vector<16xf32>,
      %gather3A_258 = tpu.vector_load_idx %arg8[%get3A_253] : memref<30720xf32, #tpu.memory_space<vmem>>[vector<16xi32>], vector<16xf32>,
      %add3A_259 = arith.constant 10240 : i32
      %add3A_260 = vector.broadcast %add3A_259 : i32 to vector<16xi32>
      %add3A_261 = arith.addi %get3A_253, %add3A_260 : vector<16xi32>
      %gather3A_262 = tpu.vector_load_idx %arg8[%add3A_261] : memref<30720xf32, #tpu.memory_space<vmem>>[vector<16xi32>], vector<16xf32>,
      %add3A_263 = arith.constant 20480 : i32
      %add3A_264 = vector.broadcast %add3A_263 : i32 to vector<16xi32>
      %add3A_265 = arith.addi %get3A_253, %add3A_264 : vector<16xi32>
      %gather3A_266 = tpu.vector_load_idx %arg8[%add3A_265] : memref<30720xf32, #tpu.memory_space<vmem>>[vector<16xi32>], vector<16xf32>,
      %mul3A_267 = arith.mulf %gather3A_258, %get3A_257 : vector<16xf32>
      tpu.vector_store_idx %arg7[%broadcast_in_dim3A_18, %get3A_255], %mul3A_267 {add = true} : memref<5x10240xf32, #tpu.memory_space<vmem>>[vector<16xi32>, vector<16xi32>], vector<16xf32>,
      %mul3A_268 = arith.mulf %gather3A_262, %get3A_257 : vector<16xf32>
      tpu.vector_store_idx %arg7[%broadcast_in_dim3A_20, %get3A_255], %mul3A_268 {add = true} : memref<5x10240xf32, #tpu.memory_space<vmem>>[vector<16xi32>, vector<16xi32>], vector<16xf32>,
      %mul3A_269 = arith.mulf %gather3A_266, %get3A_257 : vector<16xf32>
      tpu.vector_store_idx %arg7[%broadcast_in_dim3A_22, %get3A_255], %mul3A_269 {add = true} : memref<5x10240xf32, #tpu.memory_space<vmem>>[vector<16xi32>, vector<16xi32>], vector<16xf32>,
      tpu.vector_store_idx %arg7[%broadcast_in_dim3A_24, %get3A_255], %get3A_257 {add = true} : memref<5x10240xf32, #tpu.memory_space<vmem>>[vector<16xi32>, vector<16xi32>], vector<16xf32>,
      tpu.vector_store_idx %arg7[%broadcast_in_dim3A_26, %get3A_255], %broadcast_in_dim3A_16 {add = true} : memref<5x10240xf32, #tpu.memory_space<vmem>>[vector<16xi32>, vector<16xi32>], vector<16xf32>,
    }
    %scan3A_167 = arith.constant 124 : i32
    %scan3A_168 = arith.addi %scan3A_163, %scan3A_167 : i32
    %mul3A_169 = arith.constant 16 : i32
    %mul3A_170 = arith.muli %scan3A_168, %mul3A_169 : i32
    %multiple_of3A_171 = tpu.assume_multiple %mul3A_170, 16 : i32
    %get3A_172 = arith.index_cast %multiple_of3A_171 : i32 to index
    %get3A_173 = tpu.vector_load %arg12[%get3A_172] {strides = array<i32>} : memref<2000xi32, #tpu.memory_space<vmem>>, vector<16xi32>,
    %get3A_174 = arith.index_cast %multiple_of3A_171 : i32 to index
    %get3A_175 = tpu.vector_load %arg13[%get3A_174] {strides = array<i32>} : memref<2000xi32, #tpu.memory_space<vmem>>, vector<16xi32>,
    %get3A_176 = arith.index_cast %multiple_of3A_171 : i32 to index
    %get3A_177 = tpu.vector_load %arg14[%get3A_176] {strides = array<i32>} : memref<2000xf32, #tpu.memory_space<vmem>>, vector<16xf32>,
    %gather3A_178 = tpu.vector_load_idx %arg8[%get3A_173] : memref<30720xf32, #tpu.memory_space<vmem>>[vector<16xi32>], vector<16xf32>,
    %add3A_179 = arith.constant 10240 : i32
    %add3A_180 = vector.broadcast %add3A_179 : i32 to vector<16xi32>
    %add3A_181 = arith.addi %get3A_173, %add3A_180 : vector<16xi32>
    %gather3A_182 = tpu.vector_load_idx %arg8[%add3A_181] : memref<30720xf32, #tpu.memory_space<vmem>>[vector<16xi32>], vector<16xf32>,
    %add3A_183 = arith.constant 20480 : i32
    %add3A_184 = vector.broadcast %add3A_183 : i32 to vector<16xi32>
    %add3A_185 = arith.addi %get3A_173, %add3A_184 : vector<16xi32>
    %gather3A_186 = tpu.vector_load_idx %arg8[%add3A_185] : memref<30720xf32, #tpu.memory_space<vmem>>[vector<16xi32>], vector<16xf32>,
    %mul3A_187 = arith.mulf %gather3A_178, %get3A_177 : vector<16xf32>
    tpu.vector_store_idx %arg7[%broadcast_in_dim3A_18, %get3A_175], %mul3A_187 {add = true} : memref<5x10240xf32, #tpu.memory_space<vmem>>[vector<16xi32>, vector<16xi32>], vector<16xf32>,
    %mul3A_188 = arith.mulf %gather3A_182, %get3A_177 : vector<16xf32>
    tpu.vector_store_idx %arg7[%broadcast_in_dim3A_20, %get3A_175], %mul3A_188 {add = true} : memref<5x10240xf32, #tpu.memory_space<vmem>>[vector<16xi32>, vector<16xi32>], vector<16xf32>,
    %mul3A_189 = arith.mulf %gather3A_186, %get3A_177 : vector<16xf32>
    tpu.vector_store_idx %arg7[%broadcast_in_dim3A_22, %get3A_175], %mul3A_189 {add = true} : memref<5x10240xf32, #tpu.memory_space<vmem>>[vector<16xi32>, vector<16xi32>], vector<16xf32>,
    tpu.vector_store_idx %arg7[%broadcast_in_dim3A_24, %get3A_175], %get3A_177 {add = true} : memref<5x10240xf32, #tpu.memory_space<vmem>>[vector<16xi32>, vector<16xi32>], vector<16xf32>,
    tpu.vector_store_idx %arg7[%broadcast_in_dim3A_26, %get3A_175], %broadcast_in_dim3A_16 {add = true} : memref<5x10240xf32, #tpu.memory_space<vmem>>[vector<16xi32>, vector<16xi32>], vector<16xf32>,
    %scan3A_190 = arith.constant 125 : i32
    %dma_wait3A_191 = tpu.memref_slice %arg2[%add3A_156] : memref<320000xi32, #tpu.memory_space<hbm>> -> memref<2000xi32, #tpu.memory_space<hbm>>
    %dma_wait3A_192 = tpu.memref_slice %arg2[%add3A_156] : memref<320000xi32, #tpu.memory_space<hbm>> -> memref<2000xi32, #tpu.memory_space<hbm>>
    tpu.wait_dma2 semaphore(%arg15 : memref<!tpu.dma_semaphore, #tpu.memory_space<semaphore_mem>>) src(%dma_wait3A_192 : memref<2000xi32, #tpu.memory_space<hbm>>) dst(%arg9 : memref<2000xi32, #tpu.memory_space<vmem>>)
    %dma_wait3A_193 = tpu.memref_slice %arg3[%add3A_156] : memref<320000xi32, #tpu.memory_space<hbm>> -> memref<2000xi32, #tpu.memory_space<hbm>>
    %dma_wait3A_194 = tpu.memref_slice %arg3[%add3A_156] : memref<320000xi32, #tpu.memory_space<hbm>> -> memref<2000xi32, #tpu.memory_space<hbm>>
    tpu.wait_dma2 semaphore(%arg15 : memref<!tpu.dma_semaphore, #tpu.memory_space<semaphore_mem>>) src(%dma_wait3A_194 : memref<2000xi32, #tpu.memory_space<hbm>>) dst(%arg10 : memref<2000xi32, #tpu.memory_space<vmem>>)
    %dma_wait3A_195 = tpu.memref_slice %arg4[%add3A_156] : memref<320000xf32, #tpu.memory_space<hbm>> -> memref<2000xf32, #tpu.memory_space<hbm>>
    %dma_wait3A_196 = tpu.memref_slice %arg4[%add3A_156] : memref<320000xf32, #tpu.memory_space<hbm>> -> memref<2000xf32, #tpu.memory_space<hbm>>
    tpu.wait_dma2 semaphore(%arg15 : memref<!tpu.dma_semaphore, #tpu.memory_space<semaphore_mem>>) src(%dma_wait3A_196 : memref<2000xf32, #tpu.memory_space<hbm>>) dst(%arg11 : memref<2000xf32, #tpu.memory_space<vmem>>)
    %scan3A_197 = arith.constant 0 : i32
    %scan3A_198 = arith.constant 124 : i32
    %scan3A_199 = arith.addi %scan3A_197, %scan3A_198 : i32
    %scan3A_200 = arith.constant 2 : i32
    scf.for %scan3A_225 = %scan3A_197 to %scan3A_199 step %scan3A_200  : i32 {
      %mul3A_226 = arith.constant 16 : i32
      %mul3A_227 = arith.muli %scan3A_225, %mul3A_226 : i32
      %multiple_of3A_228 = tpu.assume_multiple %mul3A_227, 16 : i32
      %get3A_229 = arith.index_cast %multiple_of3A_228 : i32 to index
      %get3A_230 = tpu.vector_load %arg9[%get3A_229] {strides = array<i32>} : memref<2000xi32, #tpu.memory_space<vmem>>, vector<16xi32>,
      %get3A_231 = arith.index_cast %multiple_of3A_228 : i32 to index
      %get3A_232 = tpu.vector_load %arg10[%get3A_231] {strides = array<i32>} : memref<2000xi32, #tpu.memory_space<vmem>>, vector<16xi32>,
      %get3A_233 = arith.index_cast %multiple_of3A_228 : i32 to index
      %get3A_234 = tpu.vector_load %arg11[%get3A_233] {strides = array<i32>} : memref<2000xf32, #tpu.memory_space<vmem>>, vector<16xf32>,
      %gather3A_235 = tpu.vector_load_idx %arg8[%get3A_230] : memref<30720xf32, #tpu.memory_space<vmem>>[vector<16xi32>], vector<16xf32>,
      %add3A_236 = arith.constant 10240 : i32
      %add3A_237 = vector.broadcast %add3A_236 : i32 to vector<16xi32>
      %add3A_238 = arith.addi %get3A_230, %add3A_237 : vector<16xi32>
      %gather3A_239 = tpu.vector_load_idx %arg8[%add3A_238] : memref<30720xf32, #tpu.memory_space<vmem>>[vector<16xi32>], vector<16xf32>,
      %add3A_240 = arith.constant 20480 : i32
      %add3A_241 = vector.broadcast %add3A_240 : i32 to vector<16xi32>
      %add3A_242 = arith.addi %get3A_230, %add3A_241 : vector<16xi32>
      %gather3A_243 = tpu.vector_load_idx %arg8[%add3A_242] : memref<30720xf32, #tpu.memory_space<vmem>>[vector<16xi32>], vector<16xf32>,
      %mul3A_244 = arith.mulf %gather3A_235, %get3A_234 : vector<16xf32>
      tpu.vector_store_idx %arg7[%broadcast_in_dim3A_18, %get3A_232], %mul3A_244 {add = true} : memref<5x10240xf32, #tpu.memory_space<vmem>>[vector<16xi32>, vector<16xi32>], vector<16xf32>,
      %mul3A_245 = arith.mulf %gather3A_239, %get3A_234 : vector<16xf32>
      tpu.vector_store_idx %arg7[%broadcast_in_dim3A_20, %get3A_232], %mul3A_245 {add = true} : memref<5x10240xf32, #tpu.memory_space<vmem>>[vector<16xi32>, vector<16xi32>], vector<16xf32>,
      %mul3A_246 = arith.mulf %gather3A_243, %get3A_234 : vector<16xf32>
      tpu.vector_store_idx %arg7[%broadcast_in_dim3A_22, %get3A_232], %mul3A_246 {add = true} : memref<5x10240xf32, #tpu.memory_space<vmem>>[vector<16xi32>, vector<16xi32>], vector<16xf32>,
      tpu.vector_store_idx %arg7[%broadcast_in_dim3A_24, %get3A_232], %get3A_234 {add = true} : memref<5x10240xf32, #tpu.memory_space<vmem>>[vector<16xi32>, vector<16xi32>], vector<16xf32>,
      tpu.vector_store_idx %arg7[%broadcast_in_dim3A_26, %get3A_232], %broadcast_in_dim3A_16 {add = true} : memref<5x10240xf32, #tpu.memory_space<vmem>>[vector<16xi32>, vector<16xi32>], vector<16xf32>,
      %scan3A_247 = arith.constant 1 : i32
      %scan3A_248 = arith.addi %scan3A_225, %scan3A_247 : i32
      %mul3A_249 = arith.constant 16 : i32
      %mul3A_250 = arith.muli %scan3A_248, %mul3A_249 : i32
      %multiple_of3A_251 = tpu.assume_multiple %mul3A_250, 16 : i32
      %get3A_252 = arith.index_cast %multiple_of3A_251 : i32 to index
      %get3A_253 = tpu.vector_load %arg9[%get3A_252] {strides = array<i32>} : memref<2000xi32, #tpu.memory_space<vmem>>, vector<16xi32>,
      %get3A_254 = arith.index_cast %multiple_of3A_251 : i32 to index
      %get3A_255 = tpu.vector_load %arg10[%get3A_254] {strides = array<i32>} : memref<2000xi32, #tpu.memory_space<vmem>>, vector<16xi32>,
      %get3A_256 = arith.index_cast %multiple_of3A_251 : i32 to index
      %get3A_257 = tpu.vector_load %arg11[%get3A_256] {strides = array<i32>} : memref<2000xf32, #tpu.memory_space<vmem>>, vector<16xf32>,
      %gather3A_258 = tpu.vector_load_idx %arg8[%get3A_253] : memref<30720xf32, #tpu.memory_space<vmem>>[vector<16xi32>], vector<16xf32>,
      %add3A_259 = arith.constant 10240 : i32
      %add3A_260 = vector.broadcast %add3A_259 : i32 to vector<16xi32>
      %add3A_261 = arith.addi %get3A_253, %add3A_260 : vector<16xi32>
      %gather3A_262 = tpu.vector_load_idx %arg8[%add3A_261] : memref<30720xf32, #tpu.memory_space<vmem>>[vector<16xi32>], vector<16xf32>,
      %add3A_263 = arith.constant 20480 : i32
      %add3A_264 = vector.broadcast %add3A_263 : i32 to vector<16xi32>
      %add3A_265 = arith.addi %get3A_253, %add3A_264 : vector<16xi32>
      %gather3A_266 = tpu.vector_load_idx %arg8[%add3A_265] : memref<30720xf32, #tpu.memory_space<vmem>>[vector<16xi32>], vector<16xf32>,
      %mul3A_267 = arith.mulf %gather3A_258, %get3A_257 : vector<16xf32>
      tpu.vector_store_idx %arg7[%broadcast_in_dim3A_18, %get3A_255], %mul3A_267 {add = true} : memref<5x10240xf32, #tpu.memory_space<vmem>>[vector<16xi32>, vector<16xi32>], vector<16xf32>,
      %mul3A_268 = arith.mulf %gather3A_262, %get3A_257 : vector<16xf32>
      tpu.vector_store_idx %arg7[%broadcast_in_dim3A_20, %get3A_255], %mul3A_268 {add = true} : memref<5x10240xf32, #tpu.memory_space<vmem>>[vector<16xi32>, vector<16xi32>], vector<16xf32>,
      %mul3A_269 = arith.mulf %gather3A_266, %get3A_257 : vector<16xf32>
      tpu.vector_store_idx %arg7[%broadcast_in_dim3A_22, %get3A_255], %mul3A_269 {add = true} : memref<5x10240xf32, #tpu.memory_space<vmem>>[vector<16xi32>, vector<16xi32>], vector<16xf32>,
      tpu.vector_store_idx %arg7[%broadcast_in_dim3A_24, %get3A_255], %get3A_257 {add = true} : memref<5x10240xf32, #tpu.memory_space<vmem>>[vector<16xi32>, vector<16xi32>], vector<16xf32>,
      tpu.vector_store_idx %arg7[%broadcast_in_dim3A_26, %get3A_255], %broadcast_in_dim3A_16 {add = true} : memref<5x10240xf32, #tpu.memory_space<vmem>>[vector<16xi32>, vector<16xi32>], vector<16xf32>,
    }
    %scan3A_201 = arith.constant 124 : i32
    %scan3A_202 = arith.addi %scan3A_197, %scan3A_201 : i32
    %mul3A_203 = arith.constant 16 : i32
    %mul3A_204 = arith.muli %scan3A_202, %mul3A_203 : i32
    %multiple_of3A_205 = tpu.assume_multiple %mul3A_204, 16 : i32
    %get3A_206 = arith.index_cast %multiple_of3A_205 : i32 to index
    %get3A_207 = tpu.vector_load %arg9[%get3A_206] {strides = array<i32>} : memref<2000xi32, #tpu.memory_space<vmem>>, vector<16xi32>,
    %get3A_208 = arith.index_cast %multiple_of3A_205 : i32 to index
    %get3A_209 = tpu.vector_load %arg10[%get3A_208] {strides = array<i32>} : memref<2000xi32, #tpu.memory_space<vmem>>, vector<16xi32>,
    %get3A_210 = arith.index_cast %multiple_of3A_205 : i32 to index
    %get3A_211 = tpu.vector_load %arg11[%get3A_210] {strides = array<i32>} : memref<2000xf32, #tpu.memory_space<vmem>>, vector<16xf32>,
    %gather3A_212 = tpu.vector_load_idx %arg8[%get3A_207] : memref<30720xf32, #tpu.memory_space<vmem>>[vector<16xi32>], vector<16xf32>,
    %add3A_213 = arith.constant 10240 : i32
    %add3A_214 = vector.broadcast %add3A_213 : i32 to vector<16xi32>
    %add3A_215 = arith.addi %get3A_207, %add3A_214 : vector<16xi32>
    %gather3A_216 = tpu.vector_load_idx %arg8[%add3A_215] : memref<30720xf32, #tpu.memory_space<vmem>>[vector<16xi32>], vector<16xf32>,
    %add3A_217 = arith.constant 20480 : i32
    %add3A_218 = vector.broadcast %add3A_217 : i32 to vector<16xi32>
    %add3A_219 = arith.addi %get3A_207, %add3A_218 : vector<16xi32>
    %gather3A_220 = tpu.vector_load_idx %arg8[%add3A_219] : memref<30720xf32, #tpu.memory_space<vmem>>[vector<16xi32>], vector<16xf32>,
    %mul3A_221 = arith.mulf %gather3A_212, %get3A_211 : vector<16xf32>
    tpu.vector_store_idx %arg7[%broadcast_in_dim3A_18, %get3A_209], %mul3A_221 {add = true} : memref<5x10240xf32, #tpu.memory_space<vmem>>[vector<16xi32>, vector<16xi32>], vector<16xf32>,
    %mul3A_222 = arith.mulf %gather3A_216, %get3A_211 : vector<16xf32>
    tpu.vector_store_idx %arg7[%broadcast_in_dim3A_20, %get3A_209], %mul3A_222 {add = true} : memref<5x10240xf32, #tpu.memory_space<vmem>>[vector<16xi32>, vector<16xi32>], vector<16xf32>,
    %mul3A_223 = arith.mulf %gather3A_220, %get3A_211 : vector<16xf32>
    tpu.vector_store_idx %arg7[%broadcast_in_dim3A_22, %get3A_209], %mul3A_223 {add = true} : memref<5x10240xf32, #tpu.memory_space<vmem>>[vector<16xi32>, vector<16xi32>], vector<16xf32>,
    tpu.vector_store_idx %arg7[%broadcast_in_dim3A_24, %get3A_209], %get3A_211 {add = true} : memref<5x10240xf32, #tpu.memory_space<vmem>>[vector<16xi32>, vector<16xi32>], vector<16xf32>,
    tpu.vector_store_idx %arg7[%broadcast_in_dim3A_26, %get3A_209], %broadcast_in_dim3A_16 {add = true} : memref<5x10240xf32, #tpu.memory_space<vmem>>[vector<16xi32>, vector<16xi32>], vector<16xf32>,
    %scan3A_224 = arith.constant 125 : i32
    "tpu.region"() ({
      %run_scoped3A = tpu.sem_alloc : memref<!tpu.dma_semaphore, #tpu.memory_space<semaphore_mem>>
      %dma_start3A_225 = arith.constant 0 : i32
      %dma_start3A_226 = arith.constant 0 : i32
      %dma_start3A_227 = tpu.memref_slice %arg6[%add3A, %dma_start3A_225, %dma_start3A_226] : memref<32x5x10240xf32, #tpu.memory_space<hbm>> -> memref<1x5x10240xf32, #tpu.memory_space<hbm>>
      %dma_start3A_228 = tpu.memref_squeeze %dma_start3A_227 : memref<1x5x10240xf32, #tpu.memory_space<hbm>> -> memref<5x10240xf32, #tpu.memory_space<hbm>>
      %dma_start3A_229 = arith.constant 0 : i32
      %dma_start3A_230 = arith.constant 0 : i32
      %dma_start3A_231 = tpu.memref_slice %arg6[%add3A, %dma_start3A_229, %dma_start3A_230] : memref<32x5x10240xf32, #tpu.memory_space<hbm>> -> memref<1x5x10240xf32, #tpu.memory_space<hbm>>
      %dma_start3A_232 = tpu.memref_squeeze %dma_start3A_231 : memref<1x5x10240xf32, #tpu.memory_space<hbm>> -> memref<5x10240xf32, #tpu.memory_space<hbm>>
      tpu.enqueue_dma source(%arg7 : memref<5x10240xf32, #tpu.memory_space<vmem>>) target(%dma_start3A_232 : memref<5x10240xf32, #tpu.memory_space<hbm>>) target_semaphore(%run_scoped3A : memref<!tpu.dma_semaphore, #tpu.memory_space<semaphore_mem>>)
      %dma_wait3A_233 = arith.constant 0 : i32
      %dma_wait3A_234 = arith.constant 0 : i32
      %dma_wait3A_235 = tpu.memref_slice %arg6[%add3A, %dma_wait3A_233, %dma_wait3A_234] : memref<32x5x10240xf32, #tpu.memory_space<hbm>> -> memref<1x5x10240xf32, #tpu.memory_space<hbm>>
      %dma_wait3A_236 = tpu.memref_squeeze %dma_wait3A_235 : memref<1x5x10240xf32, #tpu.memory_space<hbm>> -> memref<5x10240xf32, #tpu.memory_space<hbm>>
      %dma_wait3A_237 = arith.constant 0 : i32
      %dma_wait3A_238 = arith.constant 0 : i32
      %dma_wait3A_239 = tpu.memref_slice %arg6[%add3A, %dma_wait3A_237, %dma_wait3A_238] : memref<32x5x10240xf32, #tpu.memory_space<hbm>> -> memref<1x5x10240xf32, #tpu.memory_space<hbm>>
      %dma_wait3A_240 = tpu.memref_squeeze %dma_wait3A_239 : memref<1x5x10240xf32, #tpu.memory_space<hbm>> -> memref<5x10240xf32, #tpu.memory_space<hbm>>
      tpu.wait_dma2 semaphore(%run_scoped3A : memref<!tpu.dma_semaphore, #tpu.memory_space<semaphore_mem>>) src(%arg7 : memref<5x10240xf32, #tpu.memory_space<vmem>>) dst(%dma_wait3A_240 : memref<5x10240xf32, #tpu.memory_space<hbm>>)
      tpu.yield
    }) : () -> ()
    return
  }
}

module attributes {stable_mosaic.version = 14 : i64} {
  func.func @_edge_mlp_body(%arg0: i32, %arg1: memref<6400x128xf32, #tpu.memory_space<vmem>>, %arg2: memref<128x128xf32, #tpu.memory_space<vmem>>, %arg3: memref<128x1xf32, #tpu.memory_space<vmem>>, %arg4: memref<1x128xf32, #tpu.memory_space<vmem>>, %arg5: memref<1x1xf32, #tpu.memory_space<vmem>>, %arg6: memref<1x1x6400xf32, #tpu.memory_space<vmem>>) attributes {dimension_semantics = [#tpu.dimension_semantics<arbitrary>], iteration_bounds = array<i64: 50>, scalar_prefetch = 0 : i64, scratch_operands = 0 : i64, tpu.core_type = #tpu.core_type<tc>, window_params = [{transform_indices = @transform_0, window_bounds = array<i64: 6400, 128>}, {pipeline_mode = #tpu.pipeline_mode<synchronous>, transform_indices = @transform_1, window_bounds = array<i64: 128, 128>}, {pipeline_mode = #tpu.pipeline_mode<synchronous>, transform_indices = @transform_2, window_bounds = array<i64: 128, 1>}, {pipeline_mode = #tpu.pipeline_mode<synchronous>, transform_indices = @transform_3, window_bounds = array<i64: 1, 128>}, {pipeline_mode = #tpu.pipeline_mode<synchronous>, transform_indices = @transform_4, window_bounds = array<i64: 1, 1>}, {transform_indices = @transform_5, window_bounds = array<i64: 1, 1, 6400>}]} {
    %get3A = arith.constant 0 : index
    %get3A_0 = arith.constant 0 : index
    %get3A_1 = vector.load %arg1[%get3A, %get3A_0] : memref<6400x128xf32, #tpu.memory_space<vmem>>, vector<6400x128xf32>
    %convert_element_type3A = arith.truncf %get3A_1 : vector<6400x128xf32> to vector<6400x128xbf16>
    %get3A_2 = arith.constant 0 : index
    %get3A_3 = arith.constant 0 : index
    %get3A_4 = vector.load %arg2[%get3A_2, %get3A_3] : memref<128x128xf32, #tpu.memory_space<vmem>>, vector<128x128xf32>
    %convert_element_type3A_5 = arith.truncf %get3A_4 : vector<128x128xf32> to vector<128x128xbf16>
    %dot_general3A = arith.constant dense<0.000000e+00> : vector<128x6400xf32>
    %dot_general3A_6 = tpu.matmul %convert_element_type3A_5, %convert_element_type3A, %dot_general3A {dimension_numbers = #tpu.dot_dimension_numbers<[1], [1], [0], [0], [0, 0, 1, 0], [], []>, transpose_lhs_hint = false} : vector<128x128xbf16>, vector<6400x128xbf16>, vector<128x6400xf32> -> vector<128x6400xf32>
    %get3A_7 = arith.constant 0 : index
    %get3A_8 = arith.constant 0 : index
    %get3A_9 = vector.load %arg3[%get3A_7, %get3A_8] : memref<128x1xf32, #tpu.memory_space<vmem>>, vector<128x1xf32>
    %add3A = vector.broadcast %get3A_9 : vector<128x1xf32> to vector<128x6400xf32>
    %add3A_10 = arith.addf %dot_general3A_6, %add3A : vector<128x6400xf32>
    %mul3A = arith.constant 5.000000e-01 : f32
    %mul3A_11 = vector.broadcast %mul3A : f32 to vector<128x6400xf32>
    %mul3A_12 = arith.mulf %add3A_10, %mul3A_11 : vector<128x6400xf32>
    %tanh3A = math.tanh %mul3A_12 : vector<128x6400xf32>
    %mul3A_13 = arith.constant 5.000000e-01 : f32
    %mul3A_14 = vector.broadcast %mul3A_13 : f32 to vector<128x6400xf32>
    %mul3A_15 = arith.mulf %mul3A_14, %tanh3A : vector<128x6400xf32>
    %add3A_16 = arith.constant 5.000000e-01 : f32
    %add3A_17 = vector.broadcast %add3A_16 : f32 to vector<128x6400xf32>
    %add3A_18 = arith.addf %mul3A_15, %add3A_17 : vector<128x6400xf32>
    %mul3A_19 = arith.mulf %add3A_10, %add3A_18 : vector<128x6400xf32>
    %get3A_20 = arith.constant 0 : index
    %get3A_21 = arith.constant 0 : index
    %get3A_22 = vector.load %arg4[%get3A_20, %get3A_21] : memref<1x128xf32, #tpu.memory_space<vmem>>, vector<1x128xf32>
    %dot_general3A_23 = arith.constant dense<0.000000e+00> : vector<1x6400xf32>
    %dot_general3A_24 = tpu.matmul %get3A_22, %mul3A_19, %dot_general3A_23 {dimension_numbers = #tpu.dot_dimension_numbers<[1], [0], [0], [1], [0, 0, 1, 1], [], []>, transpose_lhs_hint = false} : vector<1x128xf32>, vector<128x6400xf32>, vector<1x6400xf32> -> vector<1x6400xf32>
    %get3A_25 = arith.constant 0 : index
    %get3A_26 = arith.constant 0 : index
    %get3A_27 = vector.load %arg5[%get3A_25, %get3A_26] : memref<1x1xf32, #tpu.memory_space<vmem>>, vector<1x1xf32>
    %add3A_28 = vector.broadcast %get3A_27 : vector<1x1xf32> to vector<1x6400xf32>
    %add3A_29 = arith.addf %dot_general3A_24, %add3A_28 : vector<1x6400xf32>
    %broadcast_in_dim3A = vector.shape_cast %add3A_29 : vector<1x6400xf32> to vector<1x1x6400xf32>
    %swap3A = arith.constant 0 : index
    %swap3A_30 = arith.constant 0 : index
    %swap3A_31 = arith.constant 0 : index
    %swap3A_32 = vector.load %arg6[%swap3A, %swap3A_30, %swap3A_31] : memref<1x1x6400xf32, #tpu.memory_space<vmem>>, vector<1x1x6400xf32>
    tpu.vector_store %arg6[%swap3A, %swap3A_30, %swap3A_31], %broadcast_in_dim3A {strides = array<i32>} : memref<1x1x6400xf32, #tpu.memory_space<vmem>>, vector<1x1x6400xf32>,
    return
  }
  func.func @transform_0(%arg0: i32) -> (i32, i32) {
    %c0_i32 = arith.constant 0 : i32
    %c0_i32_0 = arith.constant 0 : i32
    return %arg0, %c0_i32 : i32, i32
  }
  func.func @transform_1(%arg0: i32) -> (i32, i32) {
    %c0_i32 = arith.constant 0 : i32
    %c0_i32_0 = arith.constant 0 : i32
    %c0_i32_1 = arith.constant 0 : i32
    return %c0_i32, %c0_i32_0 : i32, i32
  }
  func.func @transform_2(%arg0: i32) -> (i32, i32) {
    %c0_i32 = arith.constant 0 : i32
    %c0_i32_0 = arith.constant 0 : i32
    %c0_i32_1 = arith.constant 0 : i32
    return %c0_i32, %c0_i32_0 : i32, i32
  }
  func.func @transform_3(%arg0: i32) -> (i32, i32) {
    %c0_i32 = arith.constant 0 : i32
    %c0_i32_0 = arith.constant 0 : i32
    %c0_i32_1 = arith.constant 0 : i32
    return %c0_i32, %c0_i32_0 : i32, i32
  }
  func.func @transform_4(%arg0: i32) -> (i32, i32) {
    %c0_i32 = arith.constant 0 : i32
    %c0_i32_0 = arith.constant 0 : i32
    %c0_i32_1 = arith.constant 0 : i32
    return %c0_i32, %c0_i32_0 : i32, i32
  }
  func.func @transform_5(%arg0: i32) -> (i32, i32, i32) {
    %c0_i32 = arith.constant 0 : i32
    %c0_i32_0 = arith.constant 0 : i32
    %c0_i32_1 = arith.constant 0 : i32
    return %arg0, %c0_i32, %c0_i32_0 : i32, i32, i32
  }
}

module attributes {stable_mosaic.version = 14 : i64} {
  func.func @_node_mlp_body(%arg0: i32, %arg1: memref<2048x128xf32, #tpu.memory_space<vmem>>, %arg2: memref<128x128xf32, #tpu.memory_space<vmem>>, %arg3: memref<128x1xf32, #tpu.memory_space<vmem>>, %arg4: memref<5x128xf32, #tpu.memory_space<vmem>>, %arg5: memref<5x1xf32, #tpu.memory_space<vmem>>, %arg6: memref<15x2048xf32, #tpu.memory_space<vmem>>, %arg7: memref<3x2048xf32, #tpu.memory_space<vmem>>) attributes {dimension_semantics = [#tpu.dimension_semantics<arbitrary>], iteration_bounds = array<i64: 5>, scalar_prefetch = 0 : i64, scratch_operands = 0 : i64, tpu.core_type = #tpu.core_type<tc>, window_params = [{transform_indices = @transform_0, window_bounds = array<i64: 2048, 128>}, {pipeline_mode = #tpu.pipeline_mode<synchronous>, transform_indices = @transform_1, window_bounds = array<i64: 128, 128>}, {pipeline_mode = #tpu.pipeline_mode<synchronous>, transform_indices = @transform_2, window_bounds = array<i64: 128, 1>}, {pipeline_mode = #tpu.pipeline_mode<synchronous>, transform_indices = @transform_3, window_bounds = array<i64: 5, 128>}, {pipeline_mode = #tpu.pipeline_mode<synchronous>, transform_indices = @transform_4, window_bounds = array<i64: 5, 1>}, {transform_indices = @transform_5, window_bounds = array<i64: 15, 2048>}, {transform_indices = @transform_6, window_bounds = array<i64: 3, 2048>}]} {
    %get3A = arith.constant 0 : index
    %get3A_0 = arith.constant 0 : index
    %get3A_1 = vector.load %arg2[%get3A, %get3A_0] : memref<128x128xf32, #tpu.memory_space<vmem>>, vector<128x128xf32>
    %get3A_2 = arith.constant 0 : index
    %get3A_3 = arith.constant 0 : index
    %get3A_4 = vector.load %arg1[%get3A_2, %get3A_3] : memref<2048x128xf32, #tpu.memory_space<vmem>>, vector<2048x128xf32>
    %dot_general3A = arith.constant dense<0.000000e+00> : vector<128x2048xf32>
    %dot_general3A_5 = tpu.matmul %get3A_1, %get3A_4, %dot_general3A {dimension_numbers = #tpu.dot_dimension_numbers<[1], [1], [0], [0], [0, 0, 1, 0], [], []>, transpose_lhs_hint = false} : vector<128x128xf32>, vector<2048x128xf32>, vector<128x2048xf32> -> vector<128x2048xf32>
    %get3A_6 = arith.constant 0 : index
    %get3A_7 = arith.constant 0 : index
    %get3A_8 = vector.load %arg3[%get3A_6, %get3A_7] : memref<128x1xf32, #tpu.memory_space<vmem>>, vector<128x1xf32>
    %add3A = vector.broadcast %get3A_8 : vector<128x1xf32> to vector<128x2048xf32>
    %add3A_9 = arith.addf %dot_general3A_5, %add3A : vector<128x2048xf32>
    %logistic3A = arith.negf %add3A_9 : vector<128x2048xf32>
    %logistic3A_10 = math.exp %logistic3A : vector<128x2048xf32>
    %logistic3A_11 = arith.constant 1.000000e+00 : f32
    %logistic3A_12 = vector.broadcast %logistic3A_11 : f32 to vector<128x2048xf32>
    %logistic3A_13 = arith.addf %logistic3A_12, %logistic3A_10 : vector<128x2048xf32>
    %logistic3A_14 = arith.divf %logistic3A_12, %logistic3A_13 : vector<128x2048xf32>
    %mul3A = arith.mulf %add3A_9, %logistic3A_14 : vector<128x2048xf32>
    %get3A_15 = arith.constant 0 : index
    %get3A_16 = arith.constant 0 : index
    %get3A_17 = vector.load %arg4[%get3A_15, %get3A_16] : memref<5x128xf32, #tpu.memory_space<vmem>>, vector<5x128xf32>
    %dot_general3A_18 = arith.constant dense<0.000000e+00> : vector<5x2048xf32>
    %dot_general3A_19 = tpu.matmul %get3A_17, %mul3A, %dot_general3A_18 {dimension_numbers = #tpu.dot_dimension_numbers<[1], [0], [0], [1], [0, 0, 1, 1], [], []>, transpose_lhs_hint = false} : vector<5x128xf32>, vector<128x2048xf32>, vector<5x2048xf32> -> vector<5x2048xf32>
    %get3A_20 = arith.constant 0 : index
    %get3A_21 = arith.constant 0 : index
    %get3A_22 = vector.load %arg5[%get3A_20, %get3A_21] : memref<5x1xf32, #tpu.memory_space<vmem>>, vector<5x1xf32>
    %add3A_23 = vector.broadcast %get3A_22 : vector<5x1xf32> to vector<5x2048xf32>
    %add3A_24 = arith.addf %dot_general3A_19, %add3A_23 : vector<5x2048xf32>
    %slice3A = vector.extract_strided_slice %add3A_24 {offsets = [0, 0], sizes = [1, 2048], strides = [1, 1]} : vector<5x2048xf32> to vector<1x2048xf32>
    %get3A_25 = arith.constant 0 : index
    %get3A_26 = arith.constant 0 : index
    %get3A_27 = vector.load %arg6[%get3A_25, %get3A_26] : memref<15x2048xf32, #tpu.memory_space<vmem>>, vector<1x2048xf32>
    %mul3A_28 = arith.mulf %slice3A, %get3A_27 : vector<1x2048xf32>
    %slice3A_29 = vector.extract_strided_slice %add3A_24 {offsets = [1, 0], sizes = [1, 2048], strides = [1, 1]} : vector<5x2048xf32> to vector<1x2048xf32>
    %get3A_30 = arith.constant 3 : index
    %get3A_31 = arith.constant 0 : index
    %get3A_32 = vector.load %arg6[%get3A_30, %get3A_31] : memref<15x2048xf32, #tpu.memory_space<vmem>>, vector<1x2048xf32>
    %mul3A_33 = arith.mulf %slice3A_29, %get3A_32 : vector<1x2048xf32>
    %add3A_34 = arith.addf %mul3A_28, %mul3A_33 : vector<1x2048xf32>
    %slice3A_35 = vector.extract_strided_slice %add3A_24 {offsets = [2, 0], sizes = [1, 2048], strides = [1, 1]} : vector<5x2048xf32> to vector<1x2048xf32>
    %get3A_36 = arith.constant 6 : index
    %get3A_37 = arith.constant 0 : index
    %get3A_38 = vector.load %arg6[%get3A_36, %get3A_37] : memref<15x2048xf32, #tpu.memory_space<vmem>>, vector<1x2048xf32>
    %mul3A_39 = arith.mulf %slice3A_35, %get3A_38 : vector<1x2048xf32>
    %add3A_40 = arith.addf %add3A_34, %mul3A_39 : vector<1x2048xf32>
    %slice3A_41 = vector.extract_strided_slice %add3A_24 {offsets = [3, 0], sizes = [1, 2048], strides = [1, 1]} : vector<5x2048xf32> to vector<1x2048xf32>
    %get3A_42 = arith.constant 9 : index
    %get3A_43 = arith.constant 0 : index
    %get3A_44 = vector.load %arg6[%get3A_42, %get3A_43] : memref<15x2048xf32, #tpu.memory_space<vmem>>, vector<1x2048xf32>
    %mul3A_45 = arith.mulf %slice3A_41, %get3A_44 : vector<1x2048xf32>
    %add3A_46 = arith.addf %add3A_40, %mul3A_45 : vector<1x2048xf32>
    %slice3A_47 = vector.extract_strided_slice %add3A_24 {offsets = [4, 0], sizes = [1, 2048], strides = [1, 1]} : vector<5x2048xf32> to vector<1x2048xf32>
    %get3A_48 = arith.constant 12 : index
    %get3A_49 = arith.constant 0 : index
    %get3A_50 = vector.load %arg6[%get3A_48, %get3A_49] : memref<15x2048xf32, #tpu.memory_space<vmem>>, vector<1x2048xf32>
    %mul3A_51 = arith.mulf %slice3A_47, %get3A_50 : vector<1x2048xf32>
    %add3A_52 = arith.addf %add3A_46, %mul3A_51 : vector<1x2048xf32>
    %slice3A_53 = vector.extract_strided_slice %add3A_24 {offsets = [0, 0], sizes = [1, 2048], strides = [1, 1]} : vector<5x2048xf32> to vector<1x2048xf32>
    %get3A_54 = arith.constant 1 : index
    %get3A_55 = arith.constant 0 : index
    %get3A_56 = vector.load %arg6[%get3A_54, %get3A_55] : memref<15x2048xf32, #tpu.memory_space<vmem>>, vector<1x2048xf32>
    %mul3A_57 = arith.mulf %slice3A_53, %get3A_56 : vector<1x2048xf32>
    %slice3A_58 = vector.extract_strided_slice %add3A_24 {offsets = [1, 0], sizes = [1, 2048], strides = [1, 1]} : vector<5x2048xf32> to vector<1x2048xf32>
    %get3A_59 = arith.constant 4 : index
    %get3A_60 = arith.constant 0 : index
    %get3A_61 = vector.load %arg6[%get3A_59, %get3A_60] : memref<15x2048xf32, #tpu.memory_space<vmem>>, vector<1x2048xf32>
    %mul3A_62 = arith.mulf %slice3A_58, %get3A_61 : vector<1x2048xf32>
    %add3A_63 = arith.addf %mul3A_57, %mul3A_62 : vector<1x2048xf32>
    %slice3A_64 = vector.extract_strided_slice %add3A_24 {offsets = [2, 0], sizes = [1, 2048], strides = [1, 1]} : vector<5x2048xf32> to vector<1x2048xf32>
    %get3A_65 = arith.constant 7 : index
    %get3A_66 = arith.constant 0 : index
    %get3A_67 = vector.load %arg6[%get3A_65, %get3A_66] : memref<15x2048xf32, #tpu.memory_space<vmem>>, vector<1x2048xf32>
    %mul3A_68 = arith.mulf %slice3A_64, %get3A_67 : vector<1x2048xf32>
    %add3A_69 = arith.addf %add3A_63, %mul3A_68 : vector<1x2048xf32>
    %slice3A_70 = vector.extract_strided_slice %add3A_24 {offsets = [3, 0], sizes = [1, 2048], strides = [1, 1]} : vector<5x2048xf32> to vector<1x2048xf32>
    %get3A_71 = arith.constant 10 : index
    %get3A_72 = arith.constant 0 : index
    %get3A_73 = vector.load %arg6[%get3A_71, %get3A_72] : memref<15x2048xf32, #tpu.memory_space<vmem>>, vector<1x2048xf32>
    %mul3A_74 = arith.mulf %slice3A_70, %get3A_73 : vector<1x2048xf32>
    %add3A_75 = arith.addf %add3A_69, %mul3A_74 : vector<1x2048xf32>
    %slice3A_76 = vector.extract_strided_slice %add3A_24 {offsets = [4, 0], sizes = [1, 2048], strides = [1, 1]} : vector<5x2048xf32> to vector<1x2048xf32>
    %get3A_77 = arith.constant 13 : index
    %get3A_78 = arith.constant 0 : index
    %get3A_79 = vector.load %arg6[%get3A_77, %get3A_78] : memref<15x2048xf32, #tpu.memory_space<vmem>>, vector<1x2048xf32>
    %mul3A_80 = arith.mulf %slice3A_76, %get3A_79 : vector<1x2048xf32>
    %add3A_81 = arith.addf %add3A_75, %mul3A_80 : vector<1x2048xf32>
    %slice3A_82 = vector.extract_strided_slice %add3A_24 {offsets = [0, 0], sizes = [1, 2048], strides = [1, 1]} : vector<5x2048xf32> to vector<1x2048xf32>
    %get3A_83 = arith.constant 2 : index
    %get3A_84 = arith.constant 0 : index
    %get3A_85 = vector.load %arg6[%get3A_83, %get3A_84] : memref<15x2048xf32, #tpu.memory_space<vmem>>, vector<1x2048xf32>
    %mul3A_86 = arith.mulf %slice3A_82, %get3A_85 : vector<1x2048xf32>
    %slice3A_87 = vector.extract_strided_slice %add3A_24 {offsets = [1, 0], sizes = [1, 2048], strides = [1, 1]} : vector<5x2048xf32> to vector<1x2048xf32>
    %get3A_88 = arith.constant 5 : index
    %get3A_89 = arith.constant 0 : index
    %get3A_90 = vector.load %arg6[%get3A_88, %get3A_89] : memref<15x2048xf32, #tpu.memory_space<vmem>>, vector<1x2048xf32>
    %mul3A_91 = arith.mulf %slice3A_87, %get3A_90 : vector<1x2048xf32>
    %add3A_92 = arith.addf %mul3A_86, %mul3A_91 : vector<1x2048xf32>
    %slice3A_93 = vector.extract_strided_slice %add3A_24 {offsets = [2, 0], sizes = [1, 2048], strides = [1, 1]} : vector<5x2048xf32> to vector<1x2048xf32>
    %get3A_94 = arith.constant 8 : index
    %get3A_95 = arith.constant 0 : index
    %get3A_96 = vector.load %arg6[%get3A_94, %get3A_95] : memref<15x2048xf32, #tpu.memory_space<vmem>>, vector<1x2048xf32>
    %mul3A_97 = arith.mulf %slice3A_93, %get3A_96 : vector<1x2048xf32>
    %add3A_98 = arith.addf %add3A_92, %mul3A_97 : vector<1x2048xf32>
    %slice3A_99 = vector.extract_strided_slice %add3A_24 {offsets = [3, 0], sizes = [1, 2048], strides = [1, 1]} : vector<5x2048xf32> to vector<1x2048xf32>
    %get3A_100 = arith.constant 11 : index
    %get3A_101 = arith.constant 0 : index
    %get3A_102 = vector.load %arg6[%get3A_100, %get3A_101] : memref<15x2048xf32, #tpu.memory_space<vmem>>, vector<1x2048xf32>
    %mul3A_103 = arith.mulf %slice3A_99, %get3A_102 : vector<1x2048xf32>
    %add3A_104 = arith.addf %add3A_98, %mul3A_103 : vector<1x2048xf32>
    %slice3A_105 = vector.extract_strided_slice %add3A_24 {offsets = [4, 0], sizes = [1, 2048], strides = [1, 1]} : vector<5x2048xf32> to vector<1x2048xf32>
    %get3A_106 = arith.constant 14 : index
    %get3A_107 = arith.constant 0 : index
    %get3A_108 = vector.load %arg6[%get3A_106, %get3A_107] : memref<15x2048xf32, #tpu.memory_space<vmem>>, vector<1x2048xf32>
    %mul3A_109 = arith.mulf %slice3A_105, %get3A_108 : vector<1x2048xf32>
    %add3A_110 = arith.addf %add3A_104, %mul3A_109 : vector<1x2048xf32>
    %concatenate3A = tpu.concatenate %add3A_52, %add3A_81, %add3A_110 in 0 : vector<1x2048xf32>, vector<1x2048xf32>, vector<1x2048xf32> -> vector<3x2048xf32>
    %swap3A = arith.constant 0 : index
    %swap3A_111 = arith.constant 0 : index
    %swap3A_112 = vector.load %arg7[%swap3A, %swap3A_111] : memref<3x2048xf32, #tpu.memory_space<vmem>>, vector<3x2048xf32>
    tpu.vector_store %arg7[%swap3A, %swap3A_111], %concatenate3A {strides = array<i32>} : memref<3x2048xf32, #tpu.memory_space<vmem>>, vector<3x2048xf32>,
    return
  }
  func.func @transform_0(%arg0: i32) -> (i32, i32) {
    %c0_i32 = arith.constant 0 : i32
    %c0_i32_0 = arith.constant 0 : i32
    return %arg0, %c0_i32 : i32, i32
  }
  func.func @transform_1(%arg0: i32) -> (i32, i32) {
    %c0_i32 = arith.constant 0 : i32
    %c0_i32_0 = arith.constant 0 : i32
    %c0_i32_1 = arith.constant 0 : i32
    return %c0_i32, %c0_i32_0 : i32, i32
  }
  func.func @transform_2(%arg0: i32) -> (i32, i32) {
    %c0_i32 = arith.constant 0 : i32
    %c0_i32_0 = arith.constant 0 : i32
    %c0_i32_1 = arith.constant 0 : i32
    return %c0_i32, %c0_i32_0 : i32, i32
  }
  func.func @transform_3(%arg0: i32) -> (i32, i32) {
    %c0_i32 = arith.constant 0 : i32
    %c0_i32_0 = arith.constant 0 : i32
    %c0_i32_1 = arith.constant 0 : i32
    return %c0_i32, %c0_i32_0 : i32, i32
  }
  func.func @transform_4(%arg0: i32) -> (i32, i32) {
    %c0_i32 = arith.constant 0 : i32
    %c0_i32_0 = arith.constant 0 : i32
    %c0_i32_1 = arith.constant 0 : i32
    return %c0_i32, %c0_i32_0 : i32, i32
  }
  func.func @transform_5(%arg0: i32) -> (i32, i32) {
    %c0_i32 = arith.constant 0 : i32
    %c0_i32_0 = arith.constant 0 : i32
    return %c0_i32, %arg0 : i32, i32
  }
  func.func @transform_6(%arg0: i32) -> (i32, i32) {
    %c0_i32 = arith.constant 0 : i32
    %c0_i32_0 = arith.constant 0 : i32
    return %c0_i32, %arg0 : i32, i32
  }
}

module attributes {stable_mosaic.version = 14 : i64} {
  func.func @_combine_body(%arg0: i32, %arg1: memref<3x2048xf32, #tpu.memory_space<vmem>>, %arg2: memref<3x2048xf32, #tpu.memory_space<vmem>>, %arg3: memref<32x5x2048xf32, #tpu.memory_space<vmem>>, %arg4: memref<3x2048xf32, #tpu.memory_space<vmem>>) attributes {dimension_semantics = [#tpu.dimension_semantics<arbitrary>], iteration_bounds = array<i64: 5>, scalar_prefetch = 0 : i64, scratch_operands = 0 : i64, tpu.core_type = #tpu.core_type<tc>, window_params = [{transform_indices = @transform_0, window_bounds = array<i64: 3, 2048>}, {transform_indices = @transform_1, window_bounds = array<i64: 3, 2048>}, {transform_indices = @transform_2, window_bounds = array<i64: 32, 5, 2048>}, {transform_indices = @transform_3, window_bounds = array<i64: 3, 2048>}]} {
    %get3A = arith.constant 0 : index
    %get3A_0 = arith.constant 0 : index
    %get3A_1 = arith.constant 0 : index
    %get3A_2 = vector.load %arg3[%get3A, %get3A_0, %get3A_1] : memref<32x5x2048xf32, #tpu.memory_space<vmem>>, vector<32x5x2048xf32>
    %slice3A = vector.extract_strided_slice %get3A_2 {offsets = [0, 0, 0], sizes = [1, 5, 2048], strides = [1, 1, 1]} : vector<32x5x2048xf32> to vector<1x5x2048xf32>
    %squeeze3A = vector.shape_cast %slice3A : vector<1x5x2048xf32> to vector<5x2048xf32>
    %slice3A_3 = vector.extract_strided_slice %get3A_2 {offsets = [1, 0, 0], sizes = [1, 5, 2048], strides = [1, 1, 1]} : vector<32x5x2048xf32> to vector<1x5x2048xf32>
    %squeeze3A_4 = vector.shape_cast %slice3A_3 : vector<1x5x2048xf32> to vector<5x2048xf32>
    %add3A = arith.addf %squeeze3A, %squeeze3A_4 : vector<5x2048xf32>
    %slice3A_5 = vector.extract_strided_slice %get3A_2 {offsets = [2, 0, 0], sizes = [1, 5, 2048], strides = [1, 1, 1]} : vector<32x5x2048xf32> to vector<1x5x2048xf32>
    %squeeze3A_6 = vector.shape_cast %slice3A_5 : vector<1x5x2048xf32> to vector<5x2048xf32>
    %add3A_7 = arith.addf %add3A, %squeeze3A_6 : vector<5x2048xf32>
    %slice3A_8 = vector.extract_strided_slice %get3A_2 {offsets = [3, 0, 0], sizes = [1, 5, 2048], strides = [1, 1, 1]} : vector<32x5x2048xf32> to vector<1x5x2048xf32>
    %squeeze3A_9 = vector.shape_cast %slice3A_8 : vector<1x5x2048xf32> to vector<5x2048xf32>
    %add3A_10 = arith.addf %add3A_7, %squeeze3A_9 : vector<5x2048xf32>
    %slice3A_11 = vector.extract_strided_slice %get3A_2 {offsets = [4, 0, 0], sizes = [1, 5, 2048], strides = [1, 1, 1]} : vector<32x5x2048xf32> to vector<1x5x2048xf32>
    %squeeze3A_12 = vector.shape_cast %slice3A_11 : vector<1x5x2048xf32> to vector<5x2048xf32>
    %add3A_13 = arith.addf %add3A_10, %squeeze3A_12 : vector<5x2048xf32>
    %slice3A_14 = vector.extract_strided_slice %get3A_2 {offsets = [5, 0, 0], sizes = [1, 5, 2048], strides = [1, 1, 1]} : vector<32x5x2048xf32> to vector<1x5x2048xf32>
    %squeeze3A_15 = vector.shape_cast %slice3A_14 : vector<1x5x2048xf32> to vector<5x2048xf32>
    %add3A_16 = arith.addf %add3A_13, %squeeze3A_15 : vector<5x2048xf32>
    %slice3A_17 = vector.extract_strided_slice %get3A_2 {offsets = [6, 0, 0], sizes = [1, 5, 2048], strides = [1, 1, 1]} : vector<32x5x2048xf32> to vector<1x5x2048xf32>
    %squeeze3A_18 = vector.shape_cast %slice3A_17 : vector<1x5x2048xf32> to vector<5x2048xf32>
    %add3A_19 = arith.addf %add3A_16, %squeeze3A_18 : vector<5x2048xf32>
    %slice3A_20 = vector.extract_strided_slice %get3A_2 {offsets = [7, 0, 0], sizes = [1, 5, 2048], strides = [1, 1, 1]} : vector<32x5x2048xf32> to vector<1x5x2048xf32>
    %squeeze3A_21 = vector.shape_cast %slice3A_20 : vector<1x5x2048xf32> to vector<5x2048xf32>
    %add3A_22 = arith.addf %add3A_19, %squeeze3A_21 : vector<5x2048xf32>
    %slice3A_23 = vector.extract_strided_slice %get3A_2 {offsets = [8, 0, 0], sizes = [1, 5, 2048], strides = [1, 1, 1]} : vector<32x5x2048xf32> to vector<1x5x2048xf32>
    %squeeze3A_24 = vector.shape_cast %slice3A_23 : vector<1x5x2048xf32> to vector<5x2048xf32>
    %add3A_25 = arith.addf %add3A_22, %squeeze3A_24 : vector<5x2048xf32>
    %slice3A_26 = vector.extract_strided_slice %get3A_2 {offsets = [9, 0, 0], sizes = [1, 5, 2048], strides = [1, 1, 1]} : vector<32x5x2048xf32> to vector<1x5x2048xf32>
    %squeeze3A_27 = vector.shape_cast %slice3A_26 : vector<1x5x2048xf32> to vector<5x2048xf32>
    %add3A_28 = arith.addf %add3A_25, %squeeze3A_27 : vector<5x2048xf32>
    %slice3A_29 = vector.extract_strided_slice %get3A_2 {offsets = [10, 0, 0], sizes = [1, 5, 2048], strides = [1, 1, 1]} : vector<32x5x2048xf32> to vector<1x5x2048xf32>
    %squeeze3A_30 = vector.shape_cast %slice3A_29 : vector<1x5x2048xf32> to vector<5x2048xf32>
    %add3A_31 = arith.addf %add3A_28, %squeeze3A_30 : vector<5x2048xf32>
    %slice3A_32 = vector.extract_strided_slice %get3A_2 {offsets = [11, 0, 0], sizes = [1, 5, 2048], strides = [1, 1, 1]} : vector<32x5x2048xf32> to vector<1x5x2048xf32>
    %squeeze3A_33 = vector.shape_cast %slice3A_32 : vector<1x5x2048xf32> to vector<5x2048xf32>
    %add3A_34 = arith.addf %add3A_31, %squeeze3A_33 : vector<5x2048xf32>
    %slice3A_35 = vector.extract_strided_slice %get3A_2 {offsets = [12, 0, 0], sizes = [1, 5, 2048], strides = [1, 1, 1]} : vector<32x5x2048xf32> to vector<1x5x2048xf32>
    %squeeze3A_36 = vector.shape_cast %slice3A_35 : vector<1x5x2048xf32> to vector<5x2048xf32>
    %add3A_37 = arith.addf %add3A_34, %squeeze3A_36 : vector<5x2048xf32>
    %slice3A_38 = vector.extract_strided_slice %get3A_2 {offsets = [13, 0, 0], sizes = [1, 5, 2048], strides = [1, 1, 1]} : vector<32x5x2048xf32> to vector<1x5x2048xf32>
    %squeeze3A_39 = vector.shape_cast %slice3A_38 : vector<1x5x2048xf32> to vector<5x2048xf32>
    %add3A_40 = arith.addf %add3A_37, %squeeze3A_39 : vector<5x2048xf32>
    %slice3A_41 = vector.extract_strided_slice %get3A_2 {offsets = [14, 0, 0], sizes = [1, 5, 2048], strides = [1, 1, 1]} : vector<32x5x2048xf32> to vector<1x5x2048xf32>
    %squeeze3A_42 = vector.shape_cast %slice3A_41 : vector<1x5x2048xf32> to vector<5x2048xf32>
    %add3A_43 = arith.addf %add3A_40, %squeeze3A_42 : vector<5x2048xf32>
    %slice3A_44 = vector.extract_strided_slice %get3A_2 {offsets = [15, 0, 0], sizes = [1, 5, 2048], strides = [1, 1, 1]} : vector<32x5x2048xf32> to vector<1x5x2048xf32>
    %squeeze3A_45 = vector.shape_cast %slice3A_44 : vector<1x5x2048xf32> to vector<5x2048xf32>
    %add3A_46 = arith.addf %add3A_43, %squeeze3A_45 : vector<5x2048xf32>
    %slice3A_47 = vector.extract_strided_slice %get3A_2 {offsets = [16, 0, 0], sizes = [1, 5, 2048], strides = [1, 1, 1]} : vector<32x5x2048xf32> to vector<1x5x2048xf32>
    %squeeze3A_48 = vector.shape_cast %slice3A_47 : vector<1x5x2048xf32> to vector<5x2048xf32>
    %add3A_49 = arith.addf %add3A_46, %squeeze3A_48 : vector<5x2048xf32>
    %slice3A_50 = vector.extract_strided_slice %get3A_2 {offsets = [17, 0, 0], sizes = [1, 5, 2048], strides = [1, 1, 1]} : vector<32x5x2048xf32> to vector<1x5x2048xf32>
    %squeeze3A_51 = vector.shape_cast %slice3A_50 : vector<1x5x2048xf32> to vector<5x2048xf32>
    %add3A_52 = arith.addf %add3A_49, %squeeze3A_51 : vector<5x2048xf32>
    %slice3A_53 = vector.extract_strided_slice %get3A_2 {offsets = [18, 0, 0], sizes = [1, 5, 2048], strides = [1, 1, 1]} : vector<32x5x2048xf32> to vector<1x5x2048xf32>
    %squeeze3A_54 = vector.shape_cast %slice3A_53 : vector<1x5x2048xf32> to vector<5x2048xf32>
    %add3A_55 = arith.addf %add3A_52, %squeeze3A_54 : vector<5x2048xf32>
    %slice3A_56 = vector.extract_strided_slice %get3A_2 {offsets = [19, 0, 0], sizes = [1, 5, 2048], strides = [1, 1, 1]} : vector<32x5x2048xf32> to vector<1x5x2048xf32>
    %squeeze3A_57 = vector.shape_cast %slice3A_56 : vector<1x5x2048xf32> to vector<5x2048xf32>
    %add3A_58 = arith.addf %add3A_55, %squeeze3A_57 : vector<5x2048xf32>
    %slice3A_59 = vector.extract_strided_slice %get3A_2 {offsets = [20, 0, 0], sizes = [1, 5, 2048], strides = [1, 1, 1]} : vector<32x5x2048xf32> to vector<1x5x2048xf32>
    %squeeze3A_60 = vector.shape_cast %slice3A_59 : vector<1x5x2048xf32> to vector<5x2048xf32>
    %add3A_61 = arith.addf %add3A_58, %squeeze3A_60 : vector<5x2048xf32>
    %slice3A_62 = vector.extract_strided_slice %get3A_2 {offsets = [21, 0, 0], sizes = [1, 5, 2048], strides = [1, 1, 1]} : vector<32x5x2048xf32> to vector<1x5x2048xf32>
    %squeeze3A_63 = vector.shape_cast %slice3A_62 : vector<1x5x2048xf32> to vector<5x2048xf32>
    %add3A_64 = arith.addf %add3A_61, %squeeze3A_63 : vector<5x2048xf32>
    %slice3A_65 = vector.extract_strided_slice %get3A_2 {offsets = [22, 0, 0], sizes = [1, 5, 2048], strides = [1, 1, 1]} : vector<32x5x2048xf32> to vector<1x5x2048xf32>
    %squeeze3A_66 = vector.shape_cast %slice3A_65 : vector<1x5x2048xf32> to vector<5x2048xf32>
    %add3A_67 = arith.addf %add3A_64, %squeeze3A_66 : vector<5x2048xf32>
    %slice3A_68 = vector.extract_strided_slice %get3A_2 {offsets = [23, 0, 0], sizes = [1, 5, 2048], strides = [1, 1, 1]} : vector<32x5x2048xf32> to vector<1x5x2048xf32>
    %squeeze3A_69 = vector.shape_cast %slice3A_68 : vector<1x5x2048xf32> to vector<5x2048xf32>
    %add3A_70 = arith.addf %add3A_67, %squeeze3A_69 : vector<5x2048xf32>
    %slice3A_71 = vector.extract_strided_slice %get3A_2 {offsets = [24, 0, 0], sizes = [1, 5, 2048], strides = [1, 1, 1]} : vector<32x5x2048xf32> to vector<1x5x2048xf32>
    %squeeze3A_72 = vector.shape_cast %slice3A_71 : vector<1x5x2048xf32> to vector<5x2048xf32>
    %add3A_73 = arith.addf %add3A_70, %squeeze3A_72 : vector<5x2048xf32>
    %slice3A_74 = vector.extract_strided_slice %get3A_2 {offsets = [25, 0, 0], sizes = [1, 5, 2048], strides = [1, 1, 1]} : vector<32x5x2048xf32> to vector<1x5x2048xf32>
    %squeeze3A_75 = vector.shape_cast %slice3A_74 : vector<1x5x2048xf32> to vector<5x2048xf32>
    %add3A_76 = arith.addf %add3A_73, %squeeze3A_75 : vector<5x2048xf32>
    %slice3A_77 = vector.extract_strided_slice %get3A_2 {offsets = [26, 0, 0], sizes = [1, 5, 2048], strides = [1, 1, 1]} : vector<32x5x2048xf32> to vector<1x5x2048xf32>
    %squeeze3A_78 = vector.shape_cast %slice3A_77 : vector<1x5x2048xf32> to vector<5x2048xf32>
    %add3A_79 = arith.addf %add3A_76, %squeeze3A_78 : vector<5x2048xf32>
    %slice3A_80 = vector.extract_strided_slice %get3A_2 {offsets = [27, 0, 0], sizes = [1, 5, 2048], strides = [1, 1, 1]} : vector<32x5x2048xf32> to vector<1x5x2048xf32>
    %squeeze3A_81 = vector.shape_cast %slice3A_80 : vector<1x5x2048xf32> to vector<5x2048xf32>
    %add3A_82 = arith.addf %add3A_79, %squeeze3A_81 : vector<5x2048xf32>
    %slice3A_83 = vector.extract_strided_slice %get3A_2 {offsets = [28, 0, 0], sizes = [1, 5, 2048], strides = [1, 1, 1]} : vector<32x5x2048xf32> to vector<1x5x2048xf32>
    %squeeze3A_84 = vector.shape_cast %slice3A_83 : vector<1x5x2048xf32> to vector<5x2048xf32>
    %add3A_85 = arith.addf %add3A_82, %squeeze3A_84 : vector<5x2048xf32>
    %slice3A_86 = vector.extract_strided_slice %get3A_2 {offsets = [29, 0, 0], sizes = [1, 5, 2048], strides = [1, 1, 1]} : vector<32x5x2048xf32> to vector<1x5x2048xf32>
    %squeeze3A_87 = vector.shape_cast %slice3A_86 : vector<1x5x2048xf32> to vector<5x2048xf32>
    %add3A_88 = arith.addf %add3A_85, %squeeze3A_87 : vector<5x2048xf32>
    %slice3A_89 = vector.extract_strided_slice %get3A_2 {offsets = [30, 0, 0], sizes = [1, 5, 2048], strides = [1, 1, 1]} : vector<32x5x2048xf32> to vector<1x5x2048xf32>
    %squeeze3A_90 = vector.shape_cast %slice3A_89 : vector<1x5x2048xf32> to vector<5x2048xf32>
    %add3A_91 = arith.addf %add3A_88, %squeeze3A_90 : vector<5x2048xf32>
    %slice3A_92 = vector.extract_strided_slice %get3A_2 {offsets = [31, 0, 0], sizes = [1, 5, 2048], strides = [1, 1, 1]} : vector<32x5x2048xf32> to vector<1x5x2048xf32>
    %squeeze3A_93 = vector.shape_cast %slice3A_92 : vector<1x5x2048xf32> to vector<5x2048xf32>
    %add3A_94 = arith.addf %add3A_91, %squeeze3A_93 : vector<5x2048xf32>
    %slice3A_95 = vector.extract_strided_slice %add3A_94 {offsets = [3, 0], sizes = [1, 2048], strides = [1, 1]} : vector<5x2048xf32> to vector<1x2048xf32>
    %slice3A_96 = vector.extract_strided_slice %add3A_94 {offsets = [4, 0], sizes = [1, 2048], strides = [1, 1]} : vector<5x2048xf32> to vector<1x2048xf32>
    %max3A = arith.constant 1.000000e+00 : f32
    %max3A_97 = vector.broadcast %max3A : f32 to vector<1x2048xf32>
    %max3A_98 = arith.maximumf %slice3A_96, %max3A_97 : vector<1x2048xf32>
    %slice3A_99 = vector.extract_strided_slice %add3A_94 {offsets = [0, 0], sizes = [1, 2048], strides = [1, 1]} : vector<5x2048xf32> to vector<1x2048xf32>
    %get3A_100 = arith.constant 0 : index
    %get3A_101 = arith.constant 0 : index
    %get3A_102 = vector.load %arg2[%get3A_100, %get3A_101] : memref<3x2048xf32, #tpu.memory_space<vmem>>, vector<1x2048xf32>
    %mul3A = arith.mulf %get3A_102, %slice3A_95 : vector<1x2048xf32>
    %sub3A = arith.subf %slice3A_99, %mul3A : vector<1x2048xf32>
    %div3A = arith.divf %sub3A, %max3A_98 : vector<1x2048xf32>
    %get3A_103 = arith.constant 0 : index
    %get3A_104 = arith.constant 0 : index
    %get3A_105 = vector.load %arg1[%get3A_103, %get3A_104] : memref<3x2048xf32, #tpu.memory_space<vmem>>, vector<1x2048xf32>
    %add3A_106 = arith.addf %get3A_105, %div3A : vector<1x2048xf32>
    %slice3A_107 = vector.extract_strided_slice %add3A_94 {offsets = [1, 0], sizes = [1, 2048], strides = [1, 1]} : vector<5x2048xf32> to vector<1x2048xf32>
    %get3A_108 = arith.constant 1 : index
    %get3A_109 = arith.constant 0 : index
    %get3A_110 = vector.load %arg2[%get3A_108, %get3A_109] : memref<3x2048xf32, #tpu.memory_space<vmem>>, vector<1x2048xf32>
    %mul3A_111 = arith.mulf %get3A_110, %slice3A_95 : vector<1x2048xf32>
    %sub3A_112 = arith.subf %slice3A_107, %mul3A_111 : vector<1x2048xf32>
    %div3A_113 = arith.divf %sub3A_112, %max3A_98 : vector<1x2048xf32>
    %get3A_114 = arith.constant 1 : index
    %get3A_115 = arith.constant 0 : index
    %get3A_116 = vector.load %arg1[%get3A_114, %get3A_115] : memref<3x2048xf32, #tpu.memory_space<vmem>>, vector<1x2048xf32>
    %add3A_117 = arith.addf %get3A_116, %div3A_113 : vector<1x2048xf32>
    %slice3A_118 = vector.extract_strided_slice %add3A_94 {offsets = [2, 0], sizes = [1, 2048], strides = [1, 1]} : vector<5x2048xf32> to vector<1x2048xf32>
    %get3A_119 = arith.constant 2 : index
    %get3A_120 = arith.constant 0 : index
    %get3A_121 = vector.load %arg2[%get3A_119, %get3A_120] : memref<3x2048xf32, #tpu.memory_space<vmem>>, vector<1x2048xf32>
    %mul3A_122 = arith.mulf %get3A_121, %slice3A_95 : vector<1x2048xf32>
    %sub3A_123 = arith.subf %slice3A_118, %mul3A_122 : vector<1x2048xf32>
    %div3A_124 = arith.divf %sub3A_123, %max3A_98 : vector<1x2048xf32>
    %get3A_125 = arith.constant 2 : index
    %get3A_126 = arith.constant 0 : index
    %get3A_127 = vector.load %arg1[%get3A_125, %get3A_126] : memref<3x2048xf32, #tpu.memory_space<vmem>>, vector<1x2048xf32>
    %add3A_128 = arith.addf %get3A_127, %div3A_124 : vector<1x2048xf32>
    %concatenate3A = tpu.concatenate %add3A_106, %add3A_117, %add3A_128 in 0 : vector<1x2048xf32>, vector<1x2048xf32>, vector<1x2048xf32> -> vector<3x2048xf32>
    %swap3A = arith.constant 0 : index
    %swap3A_129 = arith.constant 0 : index
    %swap3A_130 = vector.load %arg4[%swap3A, %swap3A_129] : memref<3x2048xf32, #tpu.memory_space<vmem>>, vector<3x2048xf32>
    tpu.vector_store %arg4[%swap3A, %swap3A_129], %concatenate3A {strides = array<i32>} : memref<3x2048xf32, #tpu.memory_space<vmem>>, vector<3x2048xf32>,
    return
  }
  func.func @transform_0(%arg0: i32) -> (i32, i32) {
    %c0_i32 = arith.constant 0 : i32
    %c0_i32_0 = arith.constant 0 : i32
    return %c0_i32, %arg0 : i32, i32
  }
  func.func @transform_1(%arg0: i32) -> (i32, i32) {
    %c0_i32 = arith.constant 0 : i32
    %c0_i32_0 = arith.constant 0 : i32
    return %c0_i32, %arg0 : i32, i32
  }
  func.func @transform_2(%arg0: i32) -> (i32, i32, i32) {
    %c0_i32 = arith.constant 0 : i32
    %c0_i32_0 = arith.constant 0 : i32
    %c0_i32_1 = arith.constant 0 : i32
    return %c0_i32, %c0_i32_0, %arg0 : i32, i32, i32
  }
  func.func @transform_3(%arg0: i32) -> (i32, i32) {
    %c0_i32 = arith.constant 0 : i32
    %c0_i32_0 = arith.constant 0 : i32
    return %c0_i32, %arg0 : i32, i32
  }
}

</mosaic_0001>

<sc_bundles>
// kernel: kernel.6.cloned.1.call-start
scs
__scs_entry_jumppad:
0x0: {  	(pc) =	sbr.rel $0x88, $3  }
0x1: {  	(tag) =	ssettag $0x0;
	lr =	simm.s32 $0x1  }
0x2: {  	[smem:$0x3F94] =	sst lr;
	_ =	strace $0xD0000000  }
0x3: {  	_ = 	snop  }
0x4: {  	_ = 	snop  }
0x5: {  	_ = 	snop  }
0x6: {  	_ = 	snop  }
0x7: {  	_ = 	snop  }
__scs_overlays_trampoline_lowered:
0x8: {  	[smem:$0x3FA3] =	sst s0  }
0x9: {  	[smem:$0x3FA4] =	sst s1  }
0xa: {  	[smem:$0x3FA5] =	sst s2  }
0xb: {  	[smem:$0x3FA6] =	sst s3  }
0xc: {  	[smem:$0x3FA7] =	sst s4  }
0xd: {  	[smem:$0x3FA8] =	sst s5  }
0xe: {  	[smem:$0x3FA9] =	sst s6  }
0xf: {  	[smem:$0x3FAA] =	sst s7  }
0x10: {  	[smem:$0x3FAB] =	sst s8  }
0x11: {  	[smem:$0x3FAC] =	sst s9;
	s0 =	simm.s32 @!p0 $0x0  }
0x12: {  	s1 =	sld [smem:$0x3F92];
	s0 =	simm.s32 @p0 $0x1  }
0x13: {  	[smem:$0x3FAD] =	sst s0;
	s0 =	simm.s32 @!p1 $0x0  }
0x14: {  	s2 =	sld [smem:$0x3F91];
	s0 =	simm.s32 @p1 $0x1  }
0x15: {  	[smem:$0x3FAE] =	sst s0;
	s0 =	simm.s32 @!p2 $0x0  }
0x16: {  	s3 =	sld [smem:$0x3FDB];
	s0 =	simm.s32 @p2 $0x1  }
0x17: {  	s4 =	simm.s32 $0x1BF5;
	[smem:$0x3FB0] =	sst s0  }
0x18: {  	s0 =	sld [smem:$0x3F93];
	_ =	swait.ge [sflag:s4], $0x0  }
0x19: {  	s7 =	sld [smem:$0x3F94]  }
0x1a: {  	s8 =	sadd.s32 $0xFFFFE003, lr  }
0x1b: {  	s9 =	sadd.s32 $0xFFFFFEF7, lr;
	s5 =	simm.s32 $0xFFFFFFFF;
	p2 =	slt.u32 s8, $0xFFFFF086  }
0x1c: {  	p1 =	slt.u32 s9, $0xF7A;
	s5 =	simm.s32 @!p2 $0x0  }
0x1d: {  	s5 =	simm.s32 @p1 $0x1;
	p0 =	seq.s32 s7, s2  }
0x1e: {  	s7 =	smul.u32 @!p0 $0xF7A, s2;
	p2 =	seq.s32 @!p0 s5, $0x0  }
0x1f: {  	s9 =	smul.u32 $0xF7A, s1;
	s8 =	simm.s32 @!p0 $0x1BF5;
	p2 =	por !p2, p0  }
0x20: {  	[sflag:s8] =	ssyncset.s32 @!p0 $0xFFFFF086;
	s6 =	sadd.s32 @!p0 s3, s7;
	s7 =	simm.s32 @!p0 $0x108  }
0x21: {  	s3 =	sadd.s32 s3, s9;
	s6 =	sadd.s32 @!p0 $0x88, s6;
	s7 =	simm.s32 @p2 $0x1082  }
0x22: {  	[simem:s7], [sflag:s8] =	dma.local @!p0 [hbm:s6], $0xF7A  }
0x23: {  	s9 =	sor.u32 $0xD0000000, s2;
	s6 =	simm.s32 $0x108;
	_ =	swait.ge @!p0 [sflag:s8], $0x0  }
0x24: {  	s3 =	sadd.s32 $0x88, s3;
	s6 =	simm.s32 @!p1 $0x1082;
	[sflag:s4] =	ssyncset.s32 $0xFFFFF086  }
0x25: {  	[simem:s6], [sflag:s4] =	dma.local [hbm:s3], $0xF7A  }
0x26: {  	[smem:$0x3F94] =	sst s1;
	(tag) =	ssettag s2;
	_ =	strace s9  }
0x27: {  	s1 =	sld [smem:$0x3FA4]  }
0x28: {  	s2 =	sld [smem:$0x3FA5]  }
0x29: {  	s4 =	sld [smem:$0x3FA7]  }
0x2a: {  	p0 =	seq.s32 s5, $0x0;
	s5 =	sld [smem:$0x3FA8]  }
0x2b: {  	s6 =	sld [smem:$0x3FA9]  }
0x2c: {  	s7 =	sld [smem:$0x3FAA]  }
0x2d: {  	s3 =	simm.s32 $0x108;
	s8 =	sld [smem:$0x3FAB]  }
0x2e: {  	s3 =	simm.s32 @!p0 $0x1082;
	s9 =	sld [smem:$0x3FAC]  }
0x2f: {  	lr =	sadd.s32 s0, s3;
	s0 =	sld [smem:$0x3FA3]  }
0x30: {  	s3 =	sld [smem:$0x3FA6]  }
0x31: {  	[smem:$0x3FAF] =	sst s10  }
0x32: {  	s10 =	sld [smem:$0x3FAD];
	_ =	sdelay $0x3  }
0x33: {  	p0 =	seq.s32 s10, $0x1;
	s10 =	sld [smem:$0x3FAF];
	_ =	sdelay $0x3  }
0x34: {  	[smem:$0x3FAF] =	sst s10  }
0x35: {  	s10 =	sld [smem:$0x3FAE];
	_ =	sdelay $0x3  }
0x36: {  	p1 =	seq.s32 s10, $0x1;
	s10 =	sld [smem:$0x3FAF];
	_ =	sdelay $0x3  }
0x37: {  	[smem:$0x3FAF] =	sst s10  }
0x38: {  	s10 =	sld [smem:$0x3FB0]  }
0x39: {  	_ = 	snop;
	(pc) =	sbr.ind lr, $3  }
0x3a: {  	_ = 	snop  }
0x3b: {  	_ = 	snop  }
0x3c: {  	p2 =	seq.s32 s10, $0x1;
	s10 =	sld [smem:$0x3FAF]  }
0x3d: {  	_ =	shalt  }
0x3e: {  	_ =	shalt  }
0x3f: {  	_ =	shalt  }
0x40: {  	_ =	shalt  }
0x41: {  	_ =	shalt  }
0x42: {  	_ =	shalt  }
0x43: {  	_ =	shalt  }
0x44: {  	_ =	shalt  }
0x45: {  	_ =	shalt  }
0x46: {  	_ =	shalt  }
0x47: {  	_ =	shalt  }
0x48: {  	_ =	shalt  }
0x49: {  	_ =	shalt  }
0x4a: {  	_ =	shalt  }
0x4b: {  	_ =	shalt  }
0x4c: {  	_ =	shalt  }
0x4d: {  	_ =	shalt  }
0x4e: {  	_ =	shalt  }
0x4f: {  	_ =	shalt  }
0x50: {  	_ =	shalt  }
0x51: {  	_ =	shalt  }
0x52: {  	_ =	shalt  }
0x53: {  	_ =	shalt  }
0x54: {  	_ =	shalt  }
0x55: {  	_ =	shalt  }
0x56: {  	_ =	shalt  }
0x57: {  	_ =	shalt  }
0x58: {  	_ =	shalt  }
0x59: {  	_ =	shalt  }
0x5a: {  	_ =	shalt  }
0x5b: {  	_ =	shalt  }
0x5c: {  	_ =	shalt  }
0x5d: {  	_ =	shalt  }
0x5e: {  	_ =	shalt  }
0x5f: {  	_ =	shalt  }
0x60: {  	_ =	shalt  }
0x61: {  	_ =	shalt  }
0x62: {  	_ =	shalt  }
0x63: {  	_ =	shalt  }
0x64: {  	_ =	shalt  }
0x65: {  	_ =	shalt  }
0x66: {  	_ =	shalt  }
0x67: {  	_ =	shalt  }
0x68: {  	_ =	shalt  }
0x69: {  	_ =	shalt  }
0x6a: {  	_ =	shalt  }
0x6b: {  	_ =	shalt  }
0x6c: {  	_ =	shalt  }
0x6d: {  	_ =	shalt  }
0x6e: {  	_ =	shalt  }
0x6f: {  	_ =	shalt  }
0x70: {  	_ =	shalt  }
0x71: {  	_ =	shalt  }
0x72: {  	_ =	shalt  }
0x73: {  	_ =	shalt  }
0x74: {  	_ =	shalt  }
0x75: {  	_ =	shalt  }
0x76: {  	_ =	shalt  }
0x77: {  	_ =	shalt  }
0x78: {  	_ =	shalt  }
0x79: {  	_ =	shalt  }
0x7a: {  	_ =	shalt  }
0x7b: {  	_ =	shalt  }
0x7c: {  	_ =	shalt  }
0x7d: {  	_ =	shalt  }
0x7e: {  	_ =	shalt  }
0x7f: {  	_ =	shalt  }
0x80: {  	_ =	shalt  }
0x81: {  	_ =	shalt  }
0x82: {  	_ =	shalt  }
0x83: {  	_ =	shalt  }
0x84: {  	_ =	shalt  }
0x85: {  	_ =	shalt  }
0x86: {  	_ =	shalt  }
0x87: {  	_ =	shalt  }
.Lfunc_end0:
.L_simem_size_0:
called_computation_lowered:
.L_overlay_start_0:
0x88: {  	s2 =	sld [smem:$0x3FD9]  }
0x89: {  	s3 =	sld [smem:$0x3FFE];
	_ =	sdelay $0x1  }
0x8a: {  	s1 =	srdreg.scid  }
0x8b: {  	s0 =	sand.u32 $0x1, s1  }
0x8c: {  	s17 =	sshll.u32 s0, $0xA;
	s2 =	sadd.s32 s3, s2  }
0x8d: {  	s2 =	sadd.s32 s2, s17  }
0x8e: {  	[smem:$0x3FBB] =	sst s2  }
0x8f: {  	_ = 	snop  }
0x90: {  	s2 =	sld [smem:$0x3FD0];
	(tm) =	ssettm $0x1  }
0x91: {  	s18 =	sld [smem:$0x3FFB];
	_ =	sdelay $0x3  }
0x92: {  	_ =	strace s18  }
0x93: {  	s3 =	sld [smem:$0x3FFC];
	_ =	sdelay $0x3  }
0x94: {  	_ =	strace s3  }
0x95: {  	s3 =	sld [smem:$0x3FFD];
	_ =	sdelay $0x3  }
0x96: {  	_ =	strace s3  }
0x97: {  	_ =	strace $0x8FFFFFFF  }
0x98: {  	s19 =	sld [smem:$0x3FDB];
	_ =	sdelay $0x1  }
0x99: {  	s4 =	simm.s32 $_scs_section_size  }
0x9a: {  	s5 =	simm.s32 $_size__tile_overlayer_lowered;
	s6 =	simm.s32 $_tile_overlayer_lowered  }
0x9b: {  	s22 =	simm.s32 $0x1BFF;
	s21 =	sshll.u32 s6, $0x1;
	s3 =	sadd.s32 s4, s19  }
0x9c: {  	s7 =	simm.s32 $0x0;
	s20 =	sshll.u32 s5, $0x1;
	s5 =	sadd.s32 s21, s3  }
0x9d: {  	[timem:s7], [sflag:s22] =	dma.local [hbm:s5], s20  }
0x9e: {  	_ =	swait.ge [sflag:s22], s20  }
0x9f: {  	s4 =	ssub.s32 $0x0, s20;
	[sflag:s22] =	ssyncset.done $0x0  }
0xa0: {  	[sflag:s22] =	ssyncadd.s32 s4;
	_ =	sdelay $0x1  }
0xa1: {  	s23 =	simm.s32 $0x1B8B  }
0xa2: {  	_ =	swait.ge [sflag:s23], $0x1  }
0xa3: {  	[sflag:s23] =	ssyncset.done $0x0  }
0xa4: {  	s25 =	simm.s32 $0x1B8E;
	s24 =	sld [smem:$0x3FFE];
	[sflag:s23] =	ssyncadd.s32 $0xFFFFFFFF  }
0xa5: {  	s26 =	simm.s32 $execute0_lowered;
	[smem:$0x3FD2] =	sst s25  }
0xa6: {  	s5 =	sshll.u32 s26, $0x1;
	_ =	strace $0x80000046;
	[dreg:$0x1] =	wrdreg $0xFFFFFFFF  }
0xa7: {  	s28 =	simm.s32 $_size_execute0_lowered;
	s3 =	sadd.s32 s3, s5;
	[dreg:$0x0] =	wrdreg $0x0  }
0xa8: {  	s5 =	sshll.u32 s28, $0x1;
	[dreg:$0x2] =	wrdreg s3  }
0xa9: {  	[dreg:$0x3] =	wrdreg s5  }
0xaa: {  	[dreg:$0x4] =	wrdreg $0xC0  }
0xab: {  	_ =	task [dreg:s7], $0x5FFFF  }
0xac: {  	[dreg:$0x1] =	wrdreg $0xFFFFFFFF  }
0xad: {  	[dreg:$0x0] =	wrdreg $0x60  }
0xae: {  	[dreg:$0x2] =	wrdreg s24  }
0xaf: {  	[dreg:$0x3] =	wrdreg s2  }
0xb0: {  	[dreg:$0x4] =	wrdreg $0x9  }
0xb1: {  	_ =	task.clear_ibuf [dreg:s7], $0x5FFFF;
	_ =	strace $0x90000046  }
0xb2: {  	s29 =	simm.s32 $0x9;
	_ =	strace $0x80000048  }
0xb3: {  	_ =	swait.ge [sflag:s29], $0x1  }
0xb4: {  	[sflag:s29] =	ssyncadd.s32 $0xFFFFFFFF  }
0xb5: {  	_ =	strace $0x90000048  }
0xb6: {  	_ =	sfence  }
0xb7: {  	s30 =	sld [smem:$0x0];
	_ =	sdelay $0x2  }
0xb8: {  	s31 =	sshll.u32 s1, $0xD;
	s1 =	sshrl.u32 s1, $0x2  }
0xb9: {  	s3 =	sand.u32 $0x4000, s31;
	s1 =	sadd.s32 s1, s30  }
0xba: {  	s0 =	sor.u32 s3, s0;
	s1 =	sshll.u32 s1, $0x11  }
0xbb: {  	s0 =	sor.u32 s1, s0  }
0xbc: {  	s0 =	sadd.s32 $0x8F2B, s0  }
0xbd: {  	[sflag:s0] =	ssyncadd.remote.s32 $0x1  }
0xbe: {  	_ =	sfence.sel $0xFFFF  }
0xbf: {  	[dreg:$0x0] =	wrdreg $0xFFFFFFFF;
	(pc) =	sbr.abs _section_cstart, $3  }
0xc0: {  	[dreg:$0x1] =	wrdreg $0xFFFFFFFF  }
0xc1: {  	_ =	task.clear_ibuf [dreg:s7], $0x2FFFF;
	_ =	strace $0x9FFFFFFF  }
0xc2: {  	(tm) =	ssettm $0x7FFFFFFF  }
0xc3: {  	_ =	shalt  }
tec
execute0_lowered:
.L_overlay_start_1:
0x0: {  	(tag) =	ssettag $0x1  }
0x1: {  	s0 =	rddreg [dreg:$0x0]  }
0x2: {  	s1 =	srdreg.scid;
	s2 =	stileid.u32;
	s3 =	simm.s32 $0x0  }
0x3: {  	s28 =	simm.s32 $0x1D800;
	s29 =	simm.s32 $0x1E000;
	s30 =	simm.s32 $0x2  }
0x4: {  	s31 =	simm.s32 $0x0;
	s1 =	sand.u32 $0x1, s1;
	s2 =	sshll.u32 s2, $0x1  }
0x5: {  	[smem:$0x7FF] =	sst s3;
	s4 =	sadd.s32 $0x14C00, s0;
	s2 =	sor.u32 s1, s2  }
0x6: {  	s17 =	sadd.s32 $0xAE00, s0;
	s1 =	ssub.s32 $0x2, s1;
	s5 =	smul.u32 $0x2710, s2  }
0x7: {  	s18 =	sadd.s32 $0x1000, s0;
	s2 =	smul.u32 $0x2800, s2;
	s6 =	sshrl.u32 s1, $0x1  }
0x8: {  	_ =	strace $0x80000047;
	s1 =	ssub.s32 s1, s6;
	s5 =	sshrl.u32 s5, $0x3  }
0x9: {  	s0 =	sadd.s32 s2, s0;
	s19 =	sadd.s32 s4, s5;
	s20 =	sadd.s32 s17, s5  }
0xa: {  	s21 =	sadd.s32 s18, s5;
	s22 =	sadd.s32 $0xFA, s5;
	[dreg:$0x3] =	wrdreg s19  }
0xb: {  	s12 =	sadd.s32 $0x1F4, s5;
	s25 =	sadd.s32 $0x2EE, s5;
	[dreg:$0x4] =	wrdreg s20  }
0xc: {  	s26 =	sadd.s32 $0x3E8, s5;
	[dreg:$0x5] =	wrdreg s21;
	s23 =	sadd.s32 s4, s22  }
0xd: {  	s24 =	sadd.s32 s17, s22;
	s9 =	sadd.s32 s18, s22;
	s10 =	sadd.s32 s4, s12  }
0xe: {  	s11 =	sadd.s32 s17, s12;
	s12 =	sadd.s32 s18, s12;
	s13 =	sadd.s32 s4, s25  }
0xf: {  	s14 =	sadd.s32 s17, s25;
	s15 =	sadd.s32 s18, s25;
	s16 =	sadd.s32 s4, s26  }
0x10: {  	s17 =	sadd.s32 s17, s26;
	s18 =	sadd.s32 s18, s26;
	s19 =	sadd.s32 $0x1EA00, s0  }
0x11: {  	s20 =	smax.u32 s1, $0x1;
	s21 =	simm.s32 $0x14000;
	s22 =	simm.s32 $0x1B800  }
0x12: {  	s25 =	simm.s32 $0x1;
	s26 =	simm.s32 $0x1D000;
	[dreg:$0x6] =	wrdreg s23  }
0x13: {  	v0 =	vimm.f32 $0.0e+00;
	v1 =	vimm.f32 $1.000000000e+00;
	[dreg:$0x7] =	wrdreg s24;
	s23 =	simm.s32 $0x1C000;
	s24 =	simm.s32 $0x1C800  }
.LBB2_1:
0x14: {  	s0 =	rddreg [dreg:$0x1]  }
0x15: {  	s1 =	rddreg [dreg:$0x3]  }
0x16: {  	[tilespmem:s21], [sflag:$0x1] =	stream.linear.gather [hbm4b:s0+s3], $0x7800, $0x38;
	[tilespmem:$0x1E800] =	vst v63  }
0x17: {  	s2 =	rddreg [dreg:$0x4]  }
0x18: {  	[tilespmem:s22], [sflag:$0x1] =	stream.linear.gather [hbm4b:s1+s3], $0x7D0, $0x38;
	[tilespmem:$0x1E800] =	vst v63  }
0x19: {  	s4 =	rddreg [dreg:$0x5];
	s5 =	sand.u32 $0x40, s3;
	s1 =	sand.u32 $0x1FC00, s3  }
0x1a: {  	[tilespmem:s23], [sflag:$0x1] =	stream.linear.gather [hbm4b:s2+s3], $0x7D0, $0x38;
	[tilespmem:$0x1E800] =	vst v63  }
0x1b: {  	p0 =	por $0x0, $0x0;
	s0 =	sor.u32 s5, s1;
	s2 =	simm.s32 $0x1  }
0x1c: {  	[tilespmem:s24], [sflag:$0x1] =	stream.linear.gather [hbm4b:s4+s3], $0x7D0, $0x38;
	[tilespmem:$0x1E800] =	vst v63  }
0x1d: {  	s2 =	simm.s32 @!p0 $0x0;
	[tilespmem:s0+$0x100] =	vst v0  }
0x1e: {  	s6 =	sshll.u32 s2, $0x6;
	[tilespmem:s0+$0x80] =	vst v0  }
0x1f: {  	s2 =	sadd.s32 $0x0, s6;
	[tilespmem:s0+$0x0] =	vst v0  }
0x20: {  	[tilespmem:s0+$0x180] =	vst v0;
	s1 =	sor.u32 $0x200, s2  }
0x21: {  	[tilespmem:s1+$0x0] =	vst v0  }
0x22: {  	[tilespmem:s0+$0x190] =	vst v0  }
0x23: {  	[tilespmem:s0+$0x90] =	vst v0  }
0x24: {  	s7 =	sadd.s32 $0x10, s2;
	[tilespmem:s0+$0x10] =	vst v0  }
0x25: {  	s1 =	sor.u32 $0x200, s7;
	[tilespmem:s0+$0x110] =	vst v0  }
0x26: {  	[tilespmem:s1+$0x0] =	vst v0  }
0x27: {  	[tilespmem:s0+$0x120] =	vst v0  }
0x28: {  	[tilespmem:s0+$0xA0] =	vst v0  }
0x29: {  	s8 =	sadd.s32 $0x20, s2;
	[tilespmem:s0+$0x20] =	vst v0  }
0x2a: {  	s1 =	sor.u32 $0x200, s8;
	[tilespmem:s0+$0x1A0] =	vst v0  }
0x2b: {  	[tilespmem:s1+$0x0] =	vst v0  }
0x2c: {  	[tilespmem:s0+$0x1B0] =	vst v0  }
0x2d: {  	p0 =	por !p0, !p0;
	s4 =	simm.s32 $0x40;
	s2 =	sadd.s32 $0x30, s2;
	[tilespmem:s0+$0xB0] =	vst v0  }
0x2e: {  	s5 =	sor.u32 $0x200, s2;
	s2 =	simm.s32 $0x200;
	s1 =	simm.s32 $0x0;
	[tilespmem:s0+$0x30] =	vst v0  }
.LBB2_2:
0x2f: {  	s6 =	sand.u32 $0x40, s4  }
0x30: {  	s7 =	sand.u32 $0x1FC00, s2;
	s1 =	sadd.s32 $0x4, s1;
	[tilespmem:s0+$0x130] =	vst v0;
	s8 =	simm.s32 $0x1  }
0x31: {  	s8 =	simm.s32 @!p0 $0x0;
	s0 =	sor.u32 s6, s7;
	p1 =	slt.u32 s1, $0x27C;
	[tilespmem:s5+$0x0] =	vst v0  }
0x32: {  	s5 =	sshll.u32 s8, $0x6;
	[tilespmem:s0+$0x100] =	vst v0  }
0x33: {  	s5 =	sadd.s32 s5, s2;
	[tilespmem:s0+$0x80] =	vst v0  }
0x34: {  	[tilespmem:s0+$0x0] =	vst v0;
	s6 =	sor.u32 $0x200, s5;
	s7 =	sadd.s32 $0x10, s5;
	s8 =	sadd.s32 $0x20, s5  }
0x35: {  	s5 =	sadd.s32 $0x30, s5;
	[tilespmem:s0+$0x180] =	vst v0  }
0x36: {  	[tilespmem:s6+$0x0] =	vst v0  }
0x37: {  	[tilespmem:s0+$0x190] =	vst v0  }
0x38: {  	[tilespmem:s0+$0x90] =	vst v0  }
0x39: {  	[tilespmem:s0+$0x10] =	vst v0  }
0x3a: {  	s6 =	sor.u32 $0x200, s7;
	[tilespmem:s0+$0x110] =	vst v0  }
0x3b: {  	[tilespmem:s6+$0x0] =	vst v0  }
0x3c: {  	[tilespmem:s0+$0x120] =	vst v0  }
0x3d: {  	[tilespmem:s0+$0xA0] =	vst v0  }
0x3e: {  	[tilespmem:s0+$0x20] =	vst v0  }
.Ltmp0:
0x3f: {  	s6 =	sor.u32 $0x200, s8;
	[tilespmem:s0+$0x1A0] =	vst v0;
	(pc) =	sbr.rel @p1 .LBB2_2-.Ltmp0, $4  }
0x40: {  	[tilespmem:s6+$0x0] =	vst v0  }
0x41: {  	[tilespmem:s0+$0x1B0] =	vst v0  }
0x42: {  	p0 =	por !p0, !p0;
	[tilespmem:s0+$0xB0] =	vst v0  }
0x43: {  	s4 =	sadd.s32 $0x40, s4;
	s2 =	sadd.s32 $0x200, s2;
	s5 =	sor.u32 $0x200, s5;
	[tilespmem:s0+$0x30] =	vst v0  }
0x44: {  	[tilespmem:s0+$0x130] =	vst v0  }
0x45: {  	[tilespmem:s5+$0x0] =	vst v0  }
0x46: {  	_ =	swait.ge [sflag:s25], $0x7800  }
0x47: {  	[sflag:s25] =	ssyncset.done $0x0  }
0x48: {  	[sflag:s25] =	ssyncadd.s32 $0xFFFF8800  }
0x49: {  	_ =	swait.ge [sflag:s25], $0x7D0  }
0x4a: {  	[sflag:s25] =	ssyncset.done $0x0  }
0x4b: {  	[sflag:s25] =	ssyncadd.s32 $0xFFFFF830  }
0x4c: {  	_ =	swait.ge [sflag:s25], $0x7D0  }
0x4d: {  	[sflag:s25] =	ssyncset.done $0x0  }
0x4e: {  	[sflag:s25] =	ssyncadd.s32 $0xFFFFF830  }
0x4f: {  	_ =	swait.ge [sflag:s25], $0x7D0  }
0x50: {  	[sflag:s25] =	ssyncset.done $0x0  }
0x51: {  	s7 =	rddreg [dreg:$0x6];
	[sflag:s25] =	ssyncadd.s32 $0xFFFFF830  }
0x52: {  	[tilespmem:s26], [sflag:$0x1] =	stream.linear.gather [hbm4b:s7+s3], $0x7D0, $0x38;
	[tilespmem:$0x1E800] =	vst v63  }
0x53: {  	s0 =	simm.s32 $0xFFFFFFFE;
	s8 =	rddreg [dreg:$0x7]  }
0x54: {  	[tilespmem:s28], [sflag:$0x1] =	stream.linear.gather [hbm4b:s8+s3], $0x7D0, $0x38;
	[tilespmem:$0x1E800] =	vst v63  }
0x55: {  	s1 =	simm.s32 $0x1C810;
	s2 =	simm.s32 $0x1C010;
	s4 =	simm.s32 $0x1B810  }
0x56: {  	[tilespmem:s29], [sflag:$0x1] =	stream.linear.gather [hbm4b:s9+s3], $0x7D0, $0x38;
	[tilespmem:$0x1E800] =	vst v63  }
.LBB2_4:
0x57: {  	v2 =	vld [tilespmem:s4+$0xFFFFFFF0];
	_ =	sdelay $0x3  }
0x58: {  	v3 =	vld [tilespmem:s2+$0xFFFFFFF0]  }
0x59: {  	v4 =	vadd.s32 $0x2800, v2  }
0x5a: {  	v5 =	vadd.s32 $0x5000, v2;
	_ =	sdelay $0x1  }
0x5b: {  	v6 =	vld [tilespmem:s1+$0xFFFFFFF0]  }
0x5c: {  	v7 =	vshll.u32 v3, $0x3;
	v2 =	vld.idx.msk [tilespmem:v2+s21+$0x0], $0xffff  }
0x5d: {  	v3 =	vand.u32 $0x7F, v3;
	v7 =	vand.u32 $0xFFFFFC00, v7;
	v4 =	vld.idx.msk [tilespmem:v4+s21+$0x0], $0xffff  }
0x5e: {  	v3 =	vor.u32 v3, v7;
	v5 =	vld.idx.msk [tilespmem:v5+s21+$0x0], $0xffff  }
0x5f: {  	v7 =	vor.u32 $0x80, v3  }
0x60: {  	v8 =	vor.u32 $0x100, v3  }
0x61: {  	v9 =	vor.u32 $0x180, v3;
	v2 =	vmul.f32 v2, v6  }
0x62: {  	v10 =	vor.u32 $0x200, v3;
	v4 =	vmul.f32 v4, v6  }
0x63: {  	[tilespmem:v3+s3+$0x0] =	vst.idx.add.f32.msk $0xffff, v2;
	v2 =	vmul.f32 v5, v6  }
0x64: {  	[tilespmem:v7+s3+$0x0] =	vst.idx.add.f32.msk $0xffff, v4  }
0x65: {  	[tilespmem:v8+s3+$0x0] =	vst.idx.add.f32.msk $0xffff, v2  }
0x66: {  	[tilespmem:v9+s3+$0x0] =	vst.idx.add.f32.msk $0xffff, v6  }
0x67: {  	[tilespmem:v10+s3+$0x0] =	vst.idx.add.f32.msk $0xffff, v1  }
0x68: {  	v2 =	vld [tilespmem:s4+$0x0];
	_ =	sdelay $0x3  }
0x69: {  	v3 =	vld [tilespmem:s2+$0x0]  }
0x6a: {  	v58 =	vadd.s32 $0x2800, v2  }
0x6b: {  	v59 =	vadd.s32 $0x5000, v2;
	_ =	sdelay $0x1  }
0x6c: {  	v6 =	vld [tilespmem:s1+$0x0]  }
0x6d: {  	v60 =	vshll.u32 v3, $0x3;
	v2 =	vld.idx.msk [tilespmem:v2+s21+$0x0], $0xffff  }
0x6e: {  	v3 =	vand.u32 $0x7F, v3;
	v7 =	vand.u32 $0xFFFFFC00, v60;
	v4 =	vld.idx.msk [tilespmem:v58+s21+$0x0], $0xffff  }
0x6f: {  	v3 =	vor.u32 v3, v7;
	v5 =	vld.idx.msk [tilespmem:v59+s21+$0x0], $0xffff  }
0x70: {  	v7 =	vor.u32 $0x80, v3  }
0x71: {  	v61 =	vor.u32 $0x100, v3  }
0x72: {  	s0 =	sadd.s32 $0x2, s0;
	v62 =	vor.u32 $0x180, v3;
	v2 =	vmul.f32 v2, v6  }
0x73: {  	p0 =	slt.u32 s0, $0x7A;
	v63 =	vor.u32 $0x200, v3;
	v4 =	vmul.f32 v4, v6  }
.Ltmp1:
0x74: {  	[tilespmem:v3+s3+$0x0] =	vst.idx.add.f32.msk $0xffff, v2;
	v2 =	vmul.f32 v5, v6;
	(pc) =	sbr.rel @p0 .LBB2_4-.Ltmp1, $4  }
0x75: {  	[tilespmem:v7+s3+$0x0] =	vst.idx.add.f32.msk $0xffff, v4  }
0x76: {  	[tilespmem:v61+s3+$0x0] =	vst.idx.add.f32.msk $0xffff, v2  }
0x77: {  	[tilespmem:v62+s3+$0x0] =	vst.idx.add.f32.msk $0xffff, v6  }
0x78: {  	s1 =	sadd.s32 $0x20, s1;
	s2 =	sadd.s32 $0x20, s2;
	s4 =	sadd.s32 $0x20, s4;
	[tilespmem:v63+s3+$0x0] =	vst.idx.add.f32.msk $0xffff, v1  }
0x79: {  	v2 =	vld [tilespmem:$0x1BFC0];
	_ =	sdelay $0x3  }
0x7a: {  	v3 =	vld [tilespmem:$0x1C7C0]  }
0x7b: {  	v4 =	vadd.s32 $0x2800, v2  }
0x7c: {  	v5 =	vadd.s32 $0x5000, v2;
	_ =	sdelay $0x1  }
0x7d: {  	v6 =	vld [tilespmem:$0x1CFC0]  }
0x7e: {  	v7 =	vshll.u32 v3, $0x3;
	v2 =	vld.idx.msk [tilespmem:v2+s21+$0x0], $0xffff  }
0x7f: {  	v3 =	vand.u32 $0x7F, v3;
	v7 =	vand.u32 $0xFFFFFC00, v7;
	v4 =	vld.idx.msk [tilespmem:v4+s21+$0x0], $0xffff  }
0x80: {  	v3 =	vor.u32 v3, v7;
	v5 =	vld.idx.msk [tilespmem:v5+s21+$0x0], $0xffff  }
0x81: {  	v7 =	vor.u32 $0x80, v3  }
0x82: {  	v8 =	vor.u32 $0x100, v3  }
0x83: {  	v9 =	vor.u32 $0x180, v3;
	v2 =	vmul.f32 v2, v6  }
0x84: {  	v10 =	vor.u32 $0x200, v3;
	v4 =	vmul.f32 v4, v6  }
0x85: {  	[tilespmem:v3+s3+$0x0] =	vst.idx.add.f32.msk $0xffff, v2;
	v2 =	vmul.f32 v5, v6  }
0x86: {  	[tilespmem:v7+s3+$0x0] =	vst.idx.add.f32.msk $0xffff, v4  }
0x87: {  	[tilespmem:v8+s3+$0x0] =	vst.idx.add.f32.msk $0xffff, v2  }
0x88: {  	[tilespmem:v9+s3+$0x0] =	vst.idx.add.f32.msk $0xffff, v6  }
0x89: {  	[tilespmem:v10+s3+$0x0] =	vst.idx.add.f32.msk $0xffff, v1  }
0x8a: {  	_ =	swait.ge [sflag:s25], $0x7D0  }
0x8b: {  	[sflag:s25] =	ssyncset.done $0x0  }
0x8c: {  	[sflag:s25] =	ssyncadd.s32 $0xFFFFF830  }
0x8d: {  	_ =	swait.ge [sflag:s25], $0x7D0  }
0x8e: {  	[sflag:s25] =	ssyncset.done $0x0  }
0x8f: {  	[sflag:s25] =	ssyncadd.s32 $0xFFFFF830  }
0x90: {  	_ =	swait.ge [sflag:s25], $0x7D0  }
0x91: {  	[sflag:s25] =	ssyncset.done $0x0  }
0x92: {  	[sflag:s25] =	ssyncadd.s32 $0xFFFFF830  }
0x93: {  	[tilespmem:s22], [sflag:$0x1] =	stream.linear.gather [hbm4b:s10+s3], $0x7D0, $0x38;
	[tilespmem:$0x1E800] =	vst v63  }
0x94: {  	s0 =	simm.s32 $0xFFFFFFFE  }
0x95: {  	[tilespmem:s23], [sflag:$0x1] =	stream.linear.gather [hbm4b:s11+s3], $0x7D0, $0x38;
	[tilespmem:$0x1E800] =	vst v63  }
0x96: {  	s1 =	simm.s32 $0x1E010;
	s2 =	simm.s32 $0x1D810;
	s4 =	simm.s32 $0x1D010  }
0x97: {  	[tilespmem:s24], [sflag:$0x1] =	stream.linear.gather [hbm4b:s12+s3], $0x7D0, $0x38;
	[tilespmem:$0x1E800] =	vst v63  }
.LBB2_6:
0x98: {  	v2 =	vld [tilespmem:s4+$0xFFFFFFF0];
	_ =	sdelay $0x3  }
0x99: {  	v3 =	vld [tilespmem:s2+$0xFFFFFFF0]  }
0x9a: {  	v4 =	vadd.s32 $0x2800, v2  }
0x9b: {  	v5 =	vadd.s32 $0x5000, v2;
	_ =	sdelay $0x1  }
0x9c: {  	v6 =	vld [tilespmem:s1+$0xFFFFFFF0]  }
0x9d: {  	v7 =	vshll.u32 v3, $0x3;
	v2 =	vld.idx.msk [tilespmem:v2+s21+$0x0], $0xffff  }
0x9e: {  	v3 =	vand.u32 $0x7F, v3;
	v7 =	vand.u32 $0xFFFFFC00, v7;
	v4 =	vld.idx.msk [tilespmem:v4+s21+$0x0], $0xffff  }
0x9f: {  	v3 =	vor.u32 v3, v7;
	v5 =	vld.idx.msk [tilespmem:v5+s21+$0x0], $0xffff  }
0xa0: {  	v7 =	vor.u32 $0x80, v3  }
0xa1: {  	v8 =	vor.u32 $0x100, v3  }
0xa2: {  	v9 =	vor.u32 $0x180, v3;
	v2 =	vmul.f32 v2, v6  }
0xa3: {  	v10 =	vor.u32 $0x200, v3;
	v4 =	vmul.f32 v4, v6  }
0xa4: {  	[tilespmem:v3+s3+$0x0] =	vst.idx.add.f32.msk $0xffff, v2;
	v2 =	vmul.f32 v5, v6  }
0xa5: {  	[tilespmem:v7+s3+$0x0] =	vst.idx.add.f32.msk $0xffff, v4  }
0xa6: {  	[tilespmem:v8+s3+$0x0] =	vst.idx.add.f32.msk $0xffff, v2  }
0xa7: {  	[tilespmem:v9+s3+$0x0] =	vst.idx.add.f32.msk $0xffff, v6  }
0xa8: {  	[tilespmem:v10+s3+$0x0] =	vst.idx.add.f32.msk $0xffff, v1  }
0xa9: {  	v2 =	vld [tilespmem:s4+$0x0];
	_ =	sdelay $0x3  }
0xaa: {  	v3 =	vld [tilespmem:s2+$0x0]  }
0xab: {  	v58 =	vadd.s32 $0x2800, v2  }
0xac: {  	v59 =	vadd.s32 $0x5000, v2;
	_ =	sdelay $0x1  }
0xad: {  	v6 =	vld [tilespmem:s1+$0x0]  }
0xae: {  	v60 =	vshll.u32 v3, $0x3;
	v2 =	vld.idx.msk [tilespmem:v2+s21+$0x0], $0xffff  }
0xaf: {  	v3 =	vand.u32 $0x7F, v3;
	v7 =	vand.u32 $0xFFFFFC00, v60;
	v4 =	vld.idx.msk [tilespmem:v58+s21+$0x0], $0xffff  }
0xb0: {  	v3 =	vor.u32 v3, v7;
	v5 =	vld.idx.msk [tilespmem:v59+s21+$0x0], $0xffff  }
0xb1: {  	v7 =	vor.u32 $0x80, v3  }
0xb2: {  	v61 =	vor.u32 $0x100, v3  }
0xb3: {  	s0 =	sadd.s32 $0x2, s0;
	v62 =	vor.u32 $0x180, v3;
	v2 =	vmul.f32 v2, v6  }
0xb4: {  	p0 =	slt.u32 s0, $0x7A;
	v63 =	vor.u32 $0x200, v3;
	v4 =	vmul.f32 v4, v6  }
.Ltmp2:
0xb5: {  	[tilespmem:v3+s3+$0x0] =	vst.idx.add.f32.msk $0xffff, v2;
	v2 =	vmul.f32 v5, v6;
	(pc) =	sbr.rel @p0 .LBB2_6-.Ltmp2, $4  }
0xb6: {  	[tilespmem:v7+s3+$0x0] =	vst.idx.add.f32.msk $0xffff, v4  }
0xb7: {  	[tilespmem:v61+s3+$0x0] =	vst.idx.add.f32.msk $0xffff, v2  }
0xb8: {  	[tilespmem:v62+s3+$0x0] =	vst.idx.add.f32.msk $0xffff, v6  }
0xb9: {  	s1 =	sadd.s32 $0x20, s1;
	s2 =	sadd.s32 $0x20, s2;
	s4 =	sadd.s32 $0x20, s4;
	[tilespmem:v63+s3+$0x0] =	vst.idx.add.f32.msk $0xffff, v1  }
0xba: {  	v2 =	vld [tilespmem:$0x1D7C0];
	_ =	sdelay $0x3  }
0xbb: {  	v3 =	vld [tilespmem:$0x1DFC0]  }
0xbc: {  	v4 =	vadd.s32 $0x2800, v2  }
0xbd: {  	v5 =	vadd.s32 $0x5000, v2;
	_ =	sdelay $0x1  }
0xbe: {  	v6 =	vld [tilespmem:$0x1E7C0]  }
0xbf: {  	v7 =	vshll.u32 v3, $0x3;
	v2 =	vld.idx.msk [tilespmem:v2+s21+$0x0], $0xffff  }
0xc0: {  	v3 =	vand.u32 $0x7F, v3;
	v7 =	vand.u32 $0xFFFFFC00, v7;
	v4 =	vld.idx.msk [tilespmem:v4+s21+$0x0], $0xffff  }
0xc1: {  	v3 =	vor.u32 v3, v7;
	v5 =	vld.idx.msk [tilespmem:v5+s21+$0x0], $0xffff  }
0xc2: {  	v7 =	vor.u32 $0x80, v3  }
0xc3: {  	v8 =	vor.u32 $0x100, v3  }
0xc4: {  	v9 =	vor.u32 $0x180, v3;
	v2 =	vmul.f32 v2, v6  }
0xc5: {  	v10 =	vor.u32 $0x200, v3;
	v4 =	vmul.f32 v4, v6  }
0xc6: {  	[tilespmem:v3+s3+$0x0] =	vst.idx.add.f32.msk $0xffff, v2;
	v2 =	vmul.f32 v5, v6  }
0xc7: {  	[tilespmem:v7+s3+$0x0] =	vst.idx.add.f32.msk $0xffff, v4  }
0xc8: {  	[tilespmem:v8+s3+$0x0] =	vst.idx.add.f32.msk $0xffff, v2  }
0xc9: {  	[tilespmem:v9+s3+$0x0] =	vst.idx.add.f32.msk $0xffff, v6  }
0xca: {  	[tilespmem:v10+s3+$0x0] =	vst.idx.add.f32.msk $0xffff, v1  }
0xcb: {  	_ =	swait.ge [sflag:s25], $0x7D0  }
0xcc: {  	[sflag:s25] =	ssyncset.done $0x0  }
0xcd: {  	[sflag:s25] =	ssyncadd.s32 $0xFFFFF830  }
0xce: {  	_ =	swait.ge [sflag:s25], $0x7D0  }
0xcf: {  	[sflag:s25] =	ssyncset.done $0x0  }
0xd0: {  	[sflag:s25] =	ssyncadd.s32 $0xFFFFF830  }
0xd1: {  	_ =	swait.ge [sflag:s25], $0x7D0  }
0xd2: {  	[sflag:s25] =	ssyncset.done $0x0  }
0xd3: {  	[sflag:s25] =	ssyncadd.s32 $0xFFFFF830  }
0xd4: {  	[tilespmem:s26], [sflag:$0x1] =	stream.linear.gather [hbm4b:s13+s3], $0x7D0, $0x38;
	[tilespmem:$0x1E800] =	vst v63  }
0xd5: {  	s0 =	simm.s32 $0xFFFFFFFE  }
0xd6: {  	[tilespmem:s28], [sflag:$0x1] =	stream.linear.gather [hbm4b:s14+s3], $0x7D0, $0x38;
	[tilespmem:$0x1E800] =	vst v63  }
0xd7: {  	s1 =	simm.s32 $0x1C810;
	s2 =	simm.s32 $0x1C010;
	s4 =	simm.s32 $0x1B810  }
0xd8: {  	[tilespmem:s29], [sflag:$0x1] =	stream.linear.gather [hbm4b:s15+s3], $0x7D0, $0x38;
	[tilespmem:$0x1E800] =	vst v63  }
.LBB2_8:
0xd9: {  	v2 =	vld [tilespmem:s4+$0xFFFFFFF0];
	_ =	sdelay $0x3  }
0xda: {  	v3 =	vld [tilespmem:s2+$0xFFFFFFF0]  }
0xdb: {  	v4 =	vadd.s32 $0x2800, v2  }
0xdc: {  	v5 =	vadd.s32 $0x5000, v2;
	_ =	sdelay $0x1  }
0xdd: {  	v6 =	vld [tilespmem:s1+$0xFFFFFFF0]  }
0xde: {  	v7 =	vshll.u32 v3, $0x3;
	v2 =	vld.idx.msk [tilespmem:v2+s21+$0x0], $0xffff  }
0xdf: {  	v3 =	vand.u32 $0x7F, v3;
	v7 =	vand.u32 $0xFFFFFC00, v7;
	v4 =	vld.idx.msk [tilespmem:v4+s21+$0x0], $0xffff  }
0xe0: {  	v3 =	vor.u32 v3, v7;
	v5 =	vld.idx.msk [tilespmem:v5+s21+$0x0], $0xffff  }
0xe1: {  	v7 =	vor.u32 $0x80, v3  }
0xe2: {  	v8 =	vor.u32 $0x100, v3  }
0xe3: {  	v9 =	vor.u32 $0x180, v3;
	v2 =	vmul.f32 v2, v6  }
0xe4: {  	v10 =	vor.u32 $0x200, v3;
	v4 =	vmul.f32 v4, v6  }
0xe5: {  	[tilespmem:v3+s3+$0x0] =	vst.idx.add.f32.msk $0xffff, v2;
	v2 =	vmul.f32 v5, v6  }
0xe6: {  	[tilespmem:v7+s3+$0x0] =	vst.idx.add.f32.msk $0xffff, v4  }
0xe7: {  	[tilespmem:v8+s3+$0x0] =	vst.idx.add.f32.msk $0xffff, v2  }
0xe8: {  	[tilespmem:v9+s3+$0x0] =	vst.idx.add.f32.msk $0xffff, v6  }
0xe9: {  	[tilespmem:v10+s3+$0x0] =	vst.idx.add.f32.msk $0xffff, v1  }
0xea: {  	v2 =	vld [tilespmem:s4+$0x0];
	_ =	sdelay $0x3  }
0xeb: {  	v3 =	vld [tilespmem:s2+$0x0]  }
0xec: {  	v58 =	vadd.s32 $0x2800, v2  }
0xed: {  	v59 =	vadd.s32 $0x5000, v2;
	_ =	sdelay $0x1  }
0xee: {  	v6 =	vld [tilespmem:s1+$0x0]  }
0xef: {  	v60 =	vshll.u32 v3, $0x3;
	v2 =	vld.idx.msk [tilespmem:v2+s21+$0x0], $0xffff  }
0xf0: {  	v3 =	vand.u32 $0x7F, v3;
	v7 =	vand.u32 $0xFFFFFC00, v60;
	v4 =	vld.idx.msk [tilespmem:v58+s21+$0x0], $0xffff  }
0xf1: {  	v3 =	vor.u32 v3, v7;
	v5 =	vld.idx.msk [tilespmem:v59+s21+$0x0], $0xffff  }
0xf2: {  	v7 =	vor.u32 $0x80, v3  }
0xf3: {  	v61 =	vor.u32 $0x100, v3  }
0xf4: {  	s0 =	sadd.s32 $0x2, s0;
	v62 =	vor.u32 $0x180, v3;
	v2 =	vmul.f32 v2, v6  }
0xf5: {  	p0 =	slt.u32 s0, $0x7A;
	v63 =	vor.u32 $0x200, v3;
	v4 =	vmul.f32 v4, v6  }
.Ltmp3:
0xf6: {  	[tilespmem:v3+s3+$0x0] =	vst.idx.add.f32.msk $0xffff, v2;
	v2 =	vmul.f32 v5, v6;
	(pc) =	sbr.rel @p0 .LBB2_8-.Ltmp3, $4  }
0xf7: {  	[tilespmem:v7+s3+$0x0] =	vst.idx.add.f32.msk $0xffff, v4  }
0xf8: {  	[tilespmem:v61+s3+$0x0] =	vst.idx.add.f32.msk $0xffff, v2  }
0xf9: {  	[tilespmem:v62+s3+$0x0] =	vst.idx.add.f32.msk $0xffff, v6  }
0xfa: {  	s1 =	sadd.s32 $0x20, s1;
	s2 =	sadd.s32 $0x20, s2;
	s4 =	sadd.s32 $0x20, s4;
	[tilespmem:v63+s3+$0x0] =	vst.idx.add.f32.msk $0xffff, v1  }
0xfb: {  	v2 =	vld [tilespmem:$0x1BFC0];
	_ =	sdelay $0x3  }
0xfc: {  	v3 =	vld [tilespmem:$0x1C7C0]  }
0xfd: {  	v4 =	vadd.s32 $0x2800, v2  }
0xfe: {  	v5 =	vadd.s32 $0x5000, v2;
	_ =	sdelay $0x1  }
0xff: {  	v6 =	vld [tilespmem:$0x1CFC0]  }
0x100: {  	v7 =	vshll.u32 v3, $0x3;
	v2 =	vld.idx.msk [tilespmem:v2+s21+$0x0], $0xffff  }
0x101: {  	v3 =	vand.u32 $0x7F, v3;
	v7 =	vand.u32 $0xFFFFFC00, v7;
	v4 =	vld.idx.msk [tilespmem:v4+s21+$0x0], $0xffff  }
0x102: {  	v3 =	vor.u32 v3, v7;
	v5 =	vld.idx.msk [tilespmem:v5+s21+$0x0], $0xffff  }
0x103: {  	v7 =	vor.u32 $0x80, v3  }
0x104: {  	v8 =	vor.u32 $0x100, v3  }
0x105: {  	v9 =	vor.u32 $0x180, v3;
	v2 =	vmul.f32 v2, v6  }
0x106: {  	v10 =	vor.u32 $0x200, v3;
	v4 =	vmul.f32 v4, v6  }
0x107: {  	[tilespmem:v3+s3+$0x0] =	vst.idx.add.f32.msk $0xffff, v2;
	v2 =	vmul.f32 v5, v6  }
0x108: {  	[tilespmem:v7+s3+$0x0] =	vst.idx.add.f32.msk $0xffff, v4  }
0x109: {  	[tilespmem:v8+s3+$0x0] =	vst.idx.add.f32.msk $0xffff, v2  }
0x10a: {  	[tilespmem:v9+s3+$0x0] =	vst.idx.add.f32.msk $0xffff, v6  }
0x10b: {  	[tilespmem:v10+s3+$0x0] =	vst.idx.add.f32.msk $0xffff, v1  }
0x10c: {  	_ =	swait.ge [sflag:s25], $0x7D0  }
0x10d: {  	[sflag:s25] =	ssyncset.done $0x0  }
0x10e: {  	[sflag:s25] =	ssyncadd.s32 $0xFFFFF830  }
0x10f: {  	_ =	swait.ge [sflag:s25], $0x7D0  }
0x110: {  	[sflag:s25] =	ssyncset.done $0x0  }
0x111: {  	[sflag:s25] =	ssyncadd.s32 $0xFFFFF830  }
0x112: {  	_ =	swait.ge [sflag:s25], $0x7D0  }
0x113: {  	[sflag:s25] =	ssyncset.done $0x0  }
0x114: {  	[sflag:s25] =	ssyncadd.s32 $0xFFFFF830  }
0x115: {  	[tilespmem:s22], [sflag:$0x1] =	stream.linear.gather [hbm4b:s16+s3], $0x7D0, $0x38;
	[tilespmem:$0x1E800] =	vst v63  }
0x116: {  	s0 =	simm.s32 $0xFFFFFFFE  }
0x117: {  	[tilespmem:s23], [sflag:$0x1] =	stream.linear.gather [hbm4b:s17+s3], $0x7D0, $0x38;
	[tilespmem:$0x1E800] =	vst v63  }
0x118: {  	s1 =	simm.s32 $0x1E010;
	s2 =	simm.s32 $0x1D810;
	s4 =	simm.s32 $0x1D010  }
0x119: {  	[tilespmem:s24], [sflag:$0x1] =	stream.linear.gather [hbm4b:s18+s3], $0x7D0, $0x38;
	[tilespmem:$0x1E800] =	vst v63  }
.LBB2_10:
0x11a: {  	v2 =	vld [tilespmem:s4+$0xFFFFFFF0];
	_ =	sdelay $0x3  }
0x11b: {  	v3 =	vld [tilespmem:s2+$0xFFFFFFF0]  }
0x11c: {  	v4 =	vadd.s32 $0x2800, v2  }
0x11d: {  	v5 =	vadd.s32 $0x5000, v2;
	_ =	sdelay $0x1  }
0x11e: {  	v6 =	vld [tilespmem:s1+$0xFFFFFFF0]  }
0x11f: {  	v7 =	vshll.u32 v3, $0x3;
	v2 =	vld.idx.msk [tilespmem:v2+s21+$0x0], $0xffff  }
0x120: {  	v3 =	vand.u32 $0x7F, v3;
	v7 =	vand.u32 $0xFFFFFC00, v7;
	v4 =	vld.idx.msk [tilespmem:v4+s21+$0x0], $0xffff  }
0x121: {  	v3 =	vor.u32 v3, v7;
	v5 =	vld.idx.msk [tilespmem:v5+s21+$0x0], $0xffff  }
0x122: {  	v7 =	vor.u32 $0x80, v3  }
0x123: {  	v8 =	vor.u32 $0x100, v3  }
0x124: {  	v9 =	vor.u32 $0x180, v3;
	v2 =	vmul.f32 v2, v6  }
0x125: {  	v10 =	vor.u32 $0x200, v3;
	v4 =	vmul.f32 v4, v6  }
0x126: {  	[tilespmem:v3+s3+$0x0] =	vst.idx.add.f32.msk $0xffff, v2;
	v2 =	vmul.f32 v5, v6  }
0x127: {  	[tilespmem:v7+s3+$0x0] =	vst.idx.add.f32.msk $0xffff, v4  }
0x128: {  	[tilespmem:v8+s3+$0x0] =	vst.idx.add.f32.msk $0xffff, v2  }
0x129: {  	[tilespmem:v9+s3+$0x0] =	vst.idx.add.f32.msk $0xffff, v6  }
0x12a: {  	[tilespmem:v10+s3+$0x0] =	vst.idx.add.f32.msk $0xffff, v1  }
0x12b: {  	v2 =	vld [tilespmem:s4+$0x0];
	_ =	sdelay $0x3  }
0x12c: {  	v3 =	vld [tilespmem:s2+$0x0]  }
0x12d: {  	v58 =	vadd.s32 $0x2800, v2  }
0x12e: {  	v59 =	vadd.s32 $0x5000, v2;
	_ =	sdelay $0x1  }
0x12f: {  	v6 =	vld [tilespmem:s1+$0x0]  }
0x130: {  	v60 =	vshll.u32 v3, $0x3;
	v2 =	vld.idx.msk [tilespmem:v2+s21+$0x0], $0xffff  }
0x131: {  	v3 =	vand.u32 $0x7F, v3;
	v7 =	vand.u32 $0xFFFFFC00, v60;
	v4 =	vld.idx.msk [tilespmem:v58+s21+$0x0], $0xffff  }
0x132: {  	v3 =	vor.u32 v3, v7;
	v5 =	vld.idx.msk [tilespmem:v59+s21+$0x0], $0xffff  }
0x133: {  	v7 =	vor.u32 $0x80, v3  }
0x134: {  	v61 =	vor.u32 $0x100, v3  }
0x135: {  	s0 =	sadd.s32 $0x2, s0;
	v62 =	vor.u32 $0x180, v3;
	v2 =	vmul.f32 v2, v6  }
0x136: {  	p0 =	slt.u32 s0, $0x7A;
	v63 =	vor.u32 $0x200, v3;
	v4 =	vmul.f32 v4, v6  }
.Ltmp4:
0x137: {  	[tilespmem:v3+s3+$0x0] =	vst.idx.add.f32.msk $0xffff, v2;
	v2 =	vmul.f32 v5, v6;
	(pc) =	sbr.rel @p0 .LBB2_10-.Ltmp4, $4  }
0x138: {  	[tilespmem:v7+s3+$0x0] =	vst.idx.add.f32.msk $0xffff, v4  }
0x139: {  	[tilespmem:v61+s3+$0x0] =	vst.idx.add.f32.msk $0xffff, v2  }
0x13a: {  	[tilespmem:v62+s3+$0x0] =	vst.idx.add.f32.msk $0xffff, v6  }
0x13b: {  	s1 =	sadd.s32 $0x20, s1;
	s2 =	sadd.s32 $0x20, s2;
	s4 =	sadd.s32 $0x20, s4;
	[tilespmem:v63+s3+$0x0] =	vst.idx.add.f32.msk $0xffff, v1  }
0x13c: {  	v2 =	vld [tilespmem:$0x1D7C0];
	_ =	sdelay $0x3  }
0x13d: {  	v3 =	vld [tilespmem:$0x1DFC0]  }
0x13e: {  	v4 =	vadd.s32 $0x2800, v2  }
0x13f: {  	v5 =	vadd.s32 $0x5000, v2;
	_ =	sdelay $0x1  }
0x140: {  	v6 =	vld [tilespmem:$0x1E7C0]  }
0x141: {  	v7 =	vshll.u32 v3, $0x3;
	v2 =	vld.idx.msk [tilespmem:v2+s21+$0x0], $0xffff  }
0x142: {  	v3 =	vand.u32 $0x7F, v3;
	v7 =	vand.u32 $0xFFFFFC00, v7;
	v4 =	vld.idx.msk [tilespmem:v4+s21+$0x0], $0xffff  }
0x143: {  	v3 =	vor.u32 v3, v7;
	v5 =	vld.idx.msk [tilespmem:v5+s21+$0x0], $0xffff  }
0x144: {  	v7 =	vor.u32 $0x80, v3  }
0x145: {  	v8 =	vor.u32 $0x100, v3  }
0x146: {  	v9 =	vor.u32 $0x180, v3;
	v2 =	vmul.f32 v2, v6  }
0x147: {  	v10 =	vor.u32 $0x200, v3;
	v4 =	vmul.f32 v4, v6  }
0x148: {  	[tilespmem:v3+s3+$0x0] =	vst.idx.add.f32.msk $0xffff, v2;
	v2 =	vmul.f32 v5, v6  }
0x149: {  	[tilespmem:v7+s3+$0x0] =	vst.idx.add.f32.msk $0xffff, v4  }
0x14a: {  	[tilespmem:v8+s3+$0x0] =	vst.idx.add.f32.msk $0xffff, v2  }
0x14b: {  	[tilespmem:v9+s3+$0x0] =	vst.idx.add.f32.msk $0xffff, v6  }
0x14c: {  	[tilespmem:v10+s3+$0x0] =	vst.idx.add.f32.msk $0xffff, v1  }
0x14d: {  	_ =	swait.ge [sflag:s25], $0x7D0  }
0x14e: {  	[sflag:s25] =	ssyncset.done $0x0  }
0x14f: {  	[sflag:s25] =	ssyncadd.s32 $0xFFFFF830  }
0x150: {  	_ =	swait.ge [sflag:s25], $0x7D0  }
0x151: {  	[sflag:s25] =	ssyncset.done $0x0  }
0x152: {  	[sflag:s25] =	ssyncadd.s32 $0xFFFFF830  }
0x153: {  	_ =	swait.ge [sflag:s25], $0x7D0  }
0x154: {  	s0 =	simm.s32 $0xFFFFFFFE;
	s1 =	simm.s32 $0x1C810;
	[sflag:s25] =	ssyncset.done $0x0  }
0x155: {  	s2 =	simm.s32 $0x1C010;
	s4 =	simm.s32 $0x1B810;
	[sflag:s25] =	ssyncadd.s32 $0xFFFFF830  }
.LBB2_12:
0x156: {  	v2 =	vld [tilespmem:s4+$0xFFFFFFF0];
	_ =	sdelay $0x3  }
0x157: {  	v3 =	vld [tilespmem:s2+$0xFFFFFFF0]  }
0x158: {  	v4 =	vadd.s32 $0x2800, v2  }
0x159: {  	v5 =	vadd.s32 $0x5000, v2;
	_ =	sdelay $0x1  }
0x15a: {  	v6 =	vld [tilespmem:s1+$0xFFFFFFF0]  }
0x15b: {  	v7 =	vshll.u32 v3, $0x3;
	v2 =	vld.idx.msk [tilespmem:v2+s21+$0x0], $0xffff  }
0x15c: {  	v3 =	vand.u32 $0x7F, v3;
	v7 =	vand.u32 $0xFFFFFC00, v7;
	v4 =	vld.idx.msk [tilespmem:v4+s21+$0x0], $0xffff  }
0x15d: {  	v3 =	vor.u32 v3, v7;
	v5 =	vld.idx.msk [tilespmem:v5+s21+$0x0], $0xffff  }
0x15e: {  	v7 =	vor.u32 $0x80, v3  }
0x15f: {  	v8 =	vor.u32 $0x100, v3  }
0x160: {  	v9 =	vor.u32 $0x180, v3;
	v2 =	vmul.f32 v2, v6  }
0x161: {  	v10 =	vor.u32 $0x200, v3;
	v4 =	vmul.f32 v4, v6  }
0x162: {  	[tilespmem:v3+s3+$0x0] =	vst.idx.add.f32.msk $0xffff, v2;
	v2 =	vmul.f32 v5, v6  }
0x163: {  	[tilespmem:v7+s3+$0x0] =	vst.idx.add.f32.msk $0xffff, v4  }
0x164: {  	[tilespmem:v8+s3+$0x0] =	vst.idx.add.f32.msk $0xffff, v2  }
0x165: {  	[tilespmem:v9+s3+$0x0] =	vst.idx.add.f32.msk $0xffff, v6  }
0x166: {  	[tilespmem:v10+s3+$0x0] =	vst.idx.add.f32.msk $0xffff, v1  }
0x167: {  	v2 =	vld [tilespmem:s4+$0x0];
	_ =	sdelay $0x3  }
0x168: {  	v3 =	vld [tilespmem:s2+$0x0]  }
0x169: {  	v58 =	vadd.s32 $0x2800, v2  }
0x16a: {  	v59 =	vadd.s32 $0x5000, v2;
	_ =	sdelay $0x1  }
0x16b: {  	v6 =	vld [tilespmem:s1+$0x0]  }
0x16c: {  	v60 =	vshll.u32 v3, $0x3;
	v2 =	vld.idx.msk [tilespmem:v2+s21+$0x0], $0xffff  }
0x16d: {  	v3 =	vand.u32 $0x7F, v3;
	v7 =	vand.u32 $0xFFFFFC00, v60;
	v4 =	vld.idx.msk [tilespmem:v58+s21+$0x0], $0xffff  }
0x16e: {  	v3 =	vor.u32 v3, v7;
	v5 =	vld.idx.msk [tilespmem:v59+s21+$0x0], $0xffff  }
0x16f: {  	v7 =	vor.u32 $0x80, v3  }
0x170: {  	v61 =	vor.u32 $0x100, v3  }
0x171: {  	s0 =	sadd.s32 $0x2, s0;
	v62 =	vor.u32 $0x180, v3;
	v2 =	vmul.f32 v2, v6  }
0x172: {  	p0 =	slt.u32 s0, $0x7A;
	v63 =	vor.u32 $0x200, v3;
	v4 =	vmul.f32 v4, v6  }
.Ltmp5:
0x173: {  	[tilespmem:v3+s3+$0x0] =	vst.idx.add.f32.msk $0xffff, v2;
	v2 =	vmul.f32 v5, v6;
	(pc) =	sbr.rel @p0 .LBB2_12-.Ltmp5, $4  }
0x174: {  	[tilespmem:v7+s3+$0x0] =	vst.idx.add.f32.msk $0xffff, v4  }
0x175: {  	[tilespmem:v61+s3+$0x0] =	vst.idx.add.f32.msk $0xffff, v2  }
0x176: {  	[tilespmem:v62+s3+$0x0] =	vst.idx.add.f32.msk $0xffff, v6  }
0x177: {  	s1 =	sadd.s32 $0x20, s1;
	s2 =	sadd.s32 $0x20, s2;
	s4 =	sadd.s32 $0x20, s4;
	[tilespmem:v63+s3+$0x0] =	vst.idx.add.f32.msk $0xffff, v1  }
0x178: {  	v2 =	vld [tilespmem:$0x1BFC0];
	_ =	sdelay $0x3  }
0x179: {  	v3 =	vld [tilespmem:$0x1C7C0]  }
0x17a: {  	v4 =	vadd.s32 $0x2800, v2  }
0x17b: {  	v5 =	vadd.s32 $0x5000, v2;
	_ =	sdelay $0x1  }
0x17c: {  	v6 =	vld [tilespmem:$0x1CFC0]  }
0x17d: {  	v7 =	vshll.u32 v3, $0x3;
	v2 =	vld.idx.msk [tilespmem:v2+s21+$0x0], $0xffff  }
0x17e: {  	v3 =	vand.u32 $0x7F, v3;
	v7 =	vand.u32 $0xFFFFFC00, v7;
	v4 =	vld.idx.msk [tilespmem:v4+s21+$0x0], $0xffff  }
0x17f: {  	v3 =	vor.u32 v3, v7;
	v5 =	vld.idx.msk [tilespmem:v5+s21+$0x0], $0xffff  }
0x180: {  	v7 =	vor.u32 $0x80, v3  }
0x181: {  	v8 =	vor.u32 $0x100, v3  }
0x182: {  	v9 =	vor.u32 $0x180, v3;
	v2 =	vmul.f32 v2, v6  }
0x183: {  	v10 =	vor.u32 $0x200, v3;
	v4 =	vmul.f32 v4, v6  }
0x184: {  	[tilespmem:v3+s3+$0x0] =	vst.idx.add.f32.msk $0xffff, v2;
	v2 =	vmul.f32 v5, v6  }
0x185: {  	[tilespmem:v7+s3+$0x0] =	vst.idx.add.f32.msk $0xffff, v4  }
0x186: {  	s31 =	sadd.s32 $0x1, s31;
	[tilespmem:v8+s3+$0x0] =	vst.idx.add.f32.msk $0xffff, v2  }
0x187: {  	p0 =	sne.s32 s31, s20;
	[tilespmem:v9+s3+$0x0] =	vst.idx.add.f32.msk $0xffff, v6  }
.Ltmp6:
0x188: {  	[tilespmem:v10+s3+$0x0] =	vst.idx.add.f32.msk $0xffff, v1;
	(pc) =	sbr.rel @p0 .LBB2_1-.Ltmp6, $4  }
0x189: {  	[hbm4b:s19+s3] =	stream.linear.scatter [tilespmem:s3], [sflag:$0x2], $0x14000, $0x38;
	[tilespmem:$0x1E800] =	vst v63  }
0x18a: {  	_ =	swait.ge [sflag:s30], $0x14000  }
0x18b: {  	[sflag:s30] =	ssyncset.done $0x0  }
0x18c: {  	[sflag:s30] =	ssyncadd.s32 $0xFFFEC000  }
0x18d: {  	_ =	sfence.sel $0x180000  }
0x18e: {  	[bflag:$0x0] =	sbarrier.arrive $0xFFFF  }
0x18f: {  	_ =	strace $0x90000047  }
0x190: {  	s0 =	stileid.u32;
	[bflag:$0x2] =	sbarrier.arrive $0xFFFF  }
0x191: {  	p0 =	sne.s32 s0, $0x0;
	s0 =	rddreg [dreg:$0x2]  }
0x192: {  	s0 =	sadd.s32 @!p0 $0x100000, s0  }
0x193: {  	[sflag:s0] =	ssyncadd.tile.s32 @!p0 $0x1;
	_ =	shalt  }
.Lfunc_end2:
_tile_overlayer_lowered:
.L_overlay_start_2:
0x194: {  	(tag) =	ssettag $0x2  }
0x195: {  	s0 =	rddreg [dreg:$0x0];
	s2 =	stileid.u32  }
0x196: {  	s1 =	rddreg [dreg:$0x1];
	p0 =	sne.s32 s2, $0x0  }
0x197: {  	s3 =	rddreg [dreg:$0x2];
	[bflag:$0x3] =	sbarrier.arrive $0xFFFF;
	s2 =	simm.s32 @!p0 $0x1C02  }
0x198: {  	[timem:s3], [sflag:s2] =	dma.local @!p0 [hbm:s0], s1  }
0x199: {  	s0 =	simm.s32 @!p0 $0x2  }
0x19a: {  	_ =	swait.ge @!p0 [sflag:s0], s1  }
0x19b: {  	s1 =	ssub.s32 @!p0 $0x0, s1;
	[sflag:s0] =	ssyncset.done @!p0 $0x0  }
0x19c: {  	[sflag:s0] =	ssyncadd.s32 @!p0 s1  }
0x19d: {  	[bflag:$0x3] =	sbarrier.arrive $0xFFFF  }
0x19e: {  	_ =	shalt  }

</sc_bundles>
